<compile_context>
chip_gen: v7x
topology: tpu7x:2x2x1
jax: 0.10.2.dev20260603
libtpu: 0.0.44.dev20260713+nightly
codegen_flags: <defaults>
</compile_context>

<pallas_src>
import functools

import jax
import jax.numpy as jnp
from jax import lax
from jax.experimental import pallas as pl
from jax.experimental.pallas import tpu as pltpu
from jax.experimental.pallas import tpu_sc as plsc

B, N, F = 2, 4096, 3
H = 256
OUT = 256
K = 16
E = B * N * K

PAD = 8
GD = 8
RA = 1024
RC = 1024

GS = 64
NG = N // GS
CAND = 4

_NC, _NS = 2, 16
_NW = _NC * _NS
_EPW = E // _NW

def _topk_body(xa_ref, xbt_ref, out_ref):
    bi = pl.program_id(0)
    blki = pl.program_id(1)
    xa = xa_ref[0]
    xbt = xbt_ref[0]
    dot = jnp.dot(xa, xbt, preferred_element_type=jnp.float32)
    sqa = jnp.sum(xa * xa, axis=1, keepdims=True)
    sqb = jnp.sum(xbt * xbt, axis=0, keepdims=True)
    d = sqa + sqb - 2.0 * dot

    inf = jnp.float32(jnp.inf)
    keys = lax.bitcast_convert_type(d, jnp.int32).reshape(NG, GS, RA)
    sub = lax.broadcasted_iota(jnp.int32, (NG, GS, RA), 1)
    giota = lax.broadcasted_iota(jnp.int32, (NG, GS, RA), 0)
    rowg = lax.broadcasted_iota(jnp.int32, (NG, GS, RA), 2) + blki * RA
    packed = lax.bitcast_convert_type(
        (keys & jnp.int32(~(GS - 1))) | sub, jnp.float32)
    keys3 = jnp.where(giota * GS + sub == rowg, inf, packed)

    cand = jnp.full((NG, CAND, RA), inf, jnp.float32)
    kiota = lax.broadcasted_iota(jnp.int32, (NG, CAND, RA), 1)
    for k in range(CAND):
        m = jnp.min(keys3, axis=1)
        keys3 = jnp.where(keys3 == m[:, None, :], inf, keys3)
        cand = jnp.where(kiota == k, m[:, None, :], cand)

    ci = lax.bitcast_convert_type(cand, jnp.int32)
    giota = lax.broadcasted_iota(jnp.int32, (NG, CAND, RA), 0)
    ci = (ci & jnp.int32(~(N - 1))) | (giota * GS) | (ci & jnp.int32(GS - 1))
    c2 = lax.bitcast_convert_type(ci, jnp.float32).reshape(NG * CAND, RA)

    acc = jnp.zeros((K, RA), jnp.int32)
    k16 = lax.broadcasted_iota(jnp.int32, (K, RA), 0)
    for k in range(K):
        m = jnp.min(c2, axis=0)
        c2 = jnp.where(c2 == m[None, :], inf, c2)
        mi = lax.bitcast_convert_type(m, jnp.int32)
        gcol = (mi & jnp.int32(N - 1)) + bi * N
        acc = jnp.where(k16 == k, gcol[None, :], acc)
    out_ref[0] = acc


def _topk(pc_pad, pc_t):
    nblk = N // RA
    return pl.pallas_call(
        _topk_body,
        grid=(B, nblk),
        in_specs=[
            pl.BlockSpec((1, N, PAD), lambda b, i: (b, 0, 0)),
            pl.BlockSpec((1, PAD, RA), lambda b, i: (b, 0, i)),
        ],
        out_specs=pl.BlockSpec((1, K, RA), lambda b, i: (b, 0, i)),
        out_shape=jax.ShapeDtypeStruct((B, K, N), jnp.int32),
        compiler_params=pltpu.CompilerParams(
            dimension_semantics=("parallel", "parallel")),
    )(pc_pad, pc_t)


def _sc_gather(table, idx):
    mesh = plsc.VectorSubcoreMesh(core_axis_name="c", subcore_axis_name="s")

    @functools.partial(
        pl.kernel,
        mesh=mesh,
        out_type=jax.ShapeDtypeStruct((E, GD), jnp.float32),
        scratch_types=[
            pltpu.VMEM((_EPW,), jnp.int32),
            pltpu.VMEM((_EPW, GD), jnp.float32),
            pltpu.SemaphoreType.DMA,
        ],
        compiler_params=pltpu.CompilerParams(use_tc_tiling_on_sc=False),
    )
    def k(table_hbm, idx_hbm, out_hbm, idx_v, rows_v, sem):
        wid = lax.axis_index("s") * _NC + lax.axis_index("c")
        wpk = (B * N) // _EPW
        kk = wid // wpk
        rem = wid % wpk
        src_base = kk * (B * N) + rem * _EPW
        bb = (rem * _EPW) // N
        nn = (rem * _EPW) % N
        idx_base = bb * (K * N) + kk * N + nn
        pltpu.sync_copy(idx_hbm.at[pl.ds(idx_base, _EPW)], idx_v)
        pltpu.async_copy(table_hbm.at[idx_v], rows_v, sem).wait()
        pltpu.sync_copy(rows_v, out_hbm.at[pl.ds(src_base, _EPW)])

    return k(table, idx)


def _mlp_body(g_ref, x_ref, w1m_ref, w1r_ref, b1_ref, w2_ref, b2_ref,
              w3a_ref, w3b_ref, b3_ref, w4_ref, b4_ref, w5_ref, b5_ref,
              out_ref):
    g = g_ref[...].reshape(K * RC, GD)[:, :PAD]
    x = x_ref[...]
    dn = jnp.dot(x, w1r_ref[...], preferred_element_type=jnp.float32)
    dn = dn + b1_ref[...]
    db = jnp.broadcast_to(dn[None, :, :], (K, RC, H)).reshape(K * RC, H)
    h = jnp.dot(g, w1m_ref[...], preferred_element_type=jnp.float32) + db
    h = jnp.maximum(h, 0.0)
    h = jnp.dot(h, w2_ref[...], preferred_element_type=jnp.float32)
    h = jnp.maximum(h + b2_ref[...], 0.0)
    agg = jnp.sum(h.reshape(K, RC, H), axis=0) * (1.0 / K)
    nf = (jnp.dot(x, w3a_ref[...], preferred_element_type=jnp.float32)
          + jnp.dot(agg, w3b_ref[...], preferred_element_type=jnp.float32)
          + b3_ref[...])
    nf = jnp.maximum(nf, 0.0)
    nf = jnp.dot(nf, w4_ref[...], preferred_element_type=jnp.float32)
    nf = jnp.maximum(nf + b4_ref[...], 0.0)
    o = jnp.dot(nf, w5_ref[...], preferred_element_type=jnp.float32)
    out_ref[...] = jnp.maximum(o + b5_ref[...], 0.0)


def _mlp(g, pc_pad_flat, w1m, w1r, b1, w2, b2, w3a, w3b, b3, w4, b4, w5, b5):
    nblk = (B * N) // RC
    full = lambda r, c: pl.BlockSpec((r, c), lambda i: (0, 0))
    return pl.pallas_call(
        _mlp_body,
        grid=(nblk,),
        in_specs=[
            pl.BlockSpec((K, RC, GD), lambda i: (0, i, 0)),
            pl.BlockSpec((RC, PAD), lambda i: (i, 0)),
            full(PAD, H), full(PAD, H), full(1, H),
            full(H, H), full(1, H),
            full(PAD, H), full(H, H), full(1, H),
            full(H, H), full(1, H),
            full(H, OUT), full(1, OUT),
        ],
        out_specs=pl.BlockSpec((RC, OUT), lambda i: (i, 0)),
        out_shape=jax.ShapeDtypeStruct((B * N, OUT), jnp.float32),
        compiler_params=pltpu.CompilerParams(
            dimension_semantics=("parallel",)),
    )(g, pc_pad_flat, w1m, w1r, b1, w2, b2, w3a, w3b, b3, w4, b4, w5, b5)


def kernel(point_cloud, W1, b1, W2, b2, W3, b3, W4, b4, W5, b5):
    f32 = jnp.float32
    pc_pad = jnp.pad(point_cloud.astype(f32), ((0, 0), (0, 0), (0, PAD - F)))
    pc_t = jnp.transpose(pc_pad, (0, 2, 1))
    src = _topk(pc_pad, pc_t).reshape(-1)

    table = pc_pad.reshape(B * N, PAD)
    g = _sc_gather(table, src).reshape(K, B * N, GD)

    pad_rows = lambda w: jnp.pad(w, ((0, PAD - F), (0, 0)))
    w1m = pad_rows(W1[:F] - W1[F:])
    w1r = pad_rows(W1[F:])
    w3a = pad_rows(W3[:F])
    w3b = W3[F:]
    row = lambda b: b.reshape(1, -1)
    out = _mlp(g, pc_pad.reshape(B * N, PAD),
               w1m, w1r, row(b1), W2, row(b2),
               w3a, w3b, row(b3), W4, row(b4), W5, row(b5))
    return out.reshape(B, N, OUT)

# --- scband reference (transcript-rebuilt; emitter-appended) ---
"""Pipeline reference for scband-point-net-gnnfeature-extractor-61022895341959 (READ-ONLY COPY).

The authoritative reference and input builder live on the scoring server;
editing this copy changes nothing except your own understanding.
"""

import jax, jax.numpy as jnp
import numpy as np

B, N, F = 2, 4096, 3
H = 256
OUT = 256
K = 16


def _init_linear(key, fan_in, fan_out):
    kw, kb = jax.random.split(key)
    bound = 1.0 / np.sqrt(fan_in)
    W = jax.random.uniform(kw, (fan_in, fan_out), jnp.float32, -bound, bound)
    b = jax.random.uniform(kb, (fan_out,), jnp.float32, -bound, bound)
    return W, b


def setup_inputs(seed: int = 0) -> dict:
    key = jax.random.key(seed)
    ks = jax.random.split(key, 6)
    point_cloud = jax.random.normal(ks[0], (B, N, F), jnp.float32)
    W1, b1 = _init_linear(ks[1], F + 3, H)       # edge_mlp layer 1 (in = input_dim + 3)
    W2, b2 = _init_linear(ks[2], H, H)           # edge_mlp layer 2
    W3, b3 = _init_linear(ks[3], H + F, H)       # node_mlp layer 1 (in = hidden + input_dim)
    W4, b4 = _init_linear(ks[4], H, H)           # node_mlp layer 2
    W5, b5 = _init_linear(ks[5], H, OUT)         # final_mlp
    return {"point_cloud": point_cloud, "W1": W1, "b1": b1, "W2": W2, "b2": b2,
            "W3": W3, "b3": b3, "W4": W4, "b4": b4, "W5": W5, "b5": b5}


def _knn_edges(point_cloud):
    # batched knn_graph (loop=False): per-batch pairwise sq. distances, top-k nearest
    x = point_cloud  # (B, N, F)
    sq = jnp.sum(x * x, axis=-1)  # (B, N)
    d = sq[:, :, None] + sq[:, None, :] - 2.0 * jnp.einsum('bnf,bmf->bnm', x, x)
    d = d + jnp.eye(N, dtype=d.dtype)[None, :, :] * 1e10  # exclude self-loops
    _, nbr = jax.lax.top_k(-d, K)  # (B, N, K) neighbor indices within batch
    offs = (jnp.arange(B, dtype=nbr.dtype) * N)[:, None, None]
    src = (nbr + offs).reshape(-1)                       # (B*N*K,) source = neighbor
    dest = jnp.repeat(jnp.arange(B * N, dtype=src.dtype), K)  # (B*N*K,) target = center
    return src, dest


def reference(point_cloud, W1, b1, W2, b2, W3, b3, W4, b4, W5, b5):
    pc_flat = point_cloud.reshape(-1, F)  # (B*N, F)
    src, dest = _knn_edges(point_cloud)
    rel = pc_flat[dest] - pc_flat[src]
    edge_features = jnp.concatenate([pc_flat[src], rel], axis=-1)  # (E, F+3)
    h = jax.nn.relu(edge_features @ W1 + b1)
    h = jax.nn.relu(h @ W2 + b2)
    # scatter_mean over dest
    summed = jax.ops.segment_sum(h, dest, num_segments=B * N)
    cnt = jax.ops.segment_sum(jnp.ones((h.shape[0], 1), h.dtype), dest, num_segments=B * N)
    aggregated = summed / jnp.maximum(cnt, 1.0)
    node_features = jnp.concatenate([pc_flat, aggregated], axis=-1)  # (B*N, F+H)
    nf = jax.nn.relu(node_features @ W3 + b3)
    nf = jax.nn.relu(nf @ W4 + b4)
    out = jax.nn.relu(nf @ W5 + b5)
    return out.reshape(B, N, OUT)

if __name__ == "__main__":
    import jax
    _d = setup_inputs()
    print(jax.jit(kernel)(*tuple(_d.values())))

</pallas_src>

<mosaic_0001>
#map = affine_map<(d0, d1) -> (0, 0)>
#map1 = affine_map<(d0, d1) -> (0)>
module attributes {stable_mosaic.version = 14 : i64} {
  func.func @k(%arg0: i32, %arg1: i32, %arg2: memref<8192x8xf32, #tpu.memory_space<hbm>>, %arg3: memref<131072xi32, #tpu.memory_space<hbm>>, %arg4: memref<131072x8xf32, #tpu.memory_space<hbm>>, %arg5: memref<4096xi32, #tpu.memory_space<vmem>>, %arg6: memref<4096x8xf32, #tpu.memory_space<vmem>>, %arg7: memref<!tpu.dma_semaphore, #tpu.memory_space<semaphore_mem>>) attributes {dimension_semantics = [#tpu.dimension_semantics<core_parallel>, #tpu.dimension_semantics<subcore_parallel>], iteration_bounds = array<i64: 2, 16>, scalar_prefetch = 0 : i64, scratch_operands = 3 : i64, tpu.core_type = #tpu.core_type<sc_vector_subcore>, window_params = [{transform_indices = #map}, {transform_indices = #map1}, {transform_indices = #map}]} {
    %mul3A = arith.constant 2 : i32
    %mul3A_0 = arith.muli %arg1, %mul3A : i32
    %add3A = arith.addi %mul3A_0, %arg0 : i32
    %jit3A = arith.constant 2 : i32
    %div3A = arith.divsi %add3A, %jit3A : i32
    %sign3A = arith.constant 0 : i32
    %sign3A_1 = arith.cmpi sgt, %add3A, %sign3A : i32
    %sign3A_2 = arith.extui %sign3A_1 : i1 to i32
    %sign3A_3 = arith.constant 0 : i32
    %sign3A_4 = arith.cmpi slt, %add3A, %sign3A_3 : i32
    %sign3A_5 = arith.extui %sign3A_4 : i1 to i32
    %sign3A_6 = arith.subi %sign3A_2, %sign3A_5 : i32
    %sign3A_7 = arith.constant 0 : i32
    %sign3A_8 = arith.cmpi sgt, %jit3A, %sign3A_7 : i32
    %sign3A_9 = arith.extui %sign3A_8 : i1 to i32
    %sign3A_10 = arith.constant 0 : i32
    %sign3A_11 = arith.cmpi slt, %jit3A, %sign3A_10 : i32
    %sign3A_12 = arith.extui %sign3A_11 : i1 to i32
    %sign3A_13 = arith.subi %sign3A_9, %sign3A_12 : i32
    %ne3A = arith.cmpi ne, %sign3A_6, %sign3A_13 : i32
    %rem3A = arith.remsi %add3A, %jit3A : i32
    %ne3A_14 = arith.constant 0 : i32
    %ne3A_15 = arith.cmpi ne, %rem3A, %ne3A_14 : i32
    %and3A = arith.andi %ne3A, %ne3A_15 : i1
    %sub3A = arith.constant 1 : i32
    %sub3A_16 = arith.subi %div3A, %sub3A : i32
    %select_n3A = arith.select %and3A, %sub3A_16, %div3A : i32
    %jit3A_17 = arith.constant 2 : i32
    %eq3A = arith.constant 0 : i32
    %eq3A_18 = arith.cmpi eq, %jit3A_17, %eq3A : i32
    %jit3A_19 = arith.constant 1 : i32
    %select_n3A_20 = arith.select %eq3A_18, %jit3A_19, %jit3A_17 : i32
    %rem3A_21 = arith.remsi %add3A, %select_n3A_20 : i32
    %ne3A_22 = arith.constant 0 : i32
    %ne3A_23 = arith.cmpi ne, %rem3A_21, %ne3A_22 : i32
    %lt3A = arith.constant 0 : i32
    %lt3A_24 = arith.cmpi slt, %rem3A_21, %lt3A : i32
    %lt3A_25 = arith.constant 0 : i32
    %lt3A_26 = arith.cmpi slt, %select_n3A_20, %lt3A_25 : i32
    %ne3A_27 = arith.xori %lt3A_24, %lt3A_26 : i1
    %and3A_28 = arith.andi %ne3A_27, %ne3A_23 : i1
    %add3A_29 = arith.addi %rem3A_21, %select_n3A_20 : i32
    %select_n3A_30 = arith.select %and3A_28, %add3A_29, %rem3A_21 : i32
    %mul3A_31 = arith.constant 8192 : i32
    %mul3A_32 = arith.muli %select_n3A, %mul3A_31 : i32
    %mul3A_33 = arith.constant 4096 : i32
    %mul3A_34 = arith.muli %select_n3A_30, %mul3A_33 : i32
    %add3A_35 = arith.addi %mul3A_32, %mul3A_34 : i32
    %mul3A_36 = arith.constant 4096 : i32
    %mul3A_37 = arith.muli %select_n3A_30, %mul3A_36 : i32
    %jit3A_38 = arith.constant 4096 : i32
    %div3A_39 = arith.divsi %mul3A_37, %jit3A_38 : i32
    %sign3A_40 = arith.constant 0 : i32
    %sign3A_41 = arith.cmpi sgt, %mul3A_37, %sign3A_40 : i32
    %sign3A_42 = arith.extui %sign3A_41 : i1 to i32
    %sign3A_43 = arith.constant 0 : i32
    %sign3A_44 = arith.cmpi slt, %mul3A_37, %sign3A_43 : i32
    %sign3A_45 = arith.extui %sign3A_44 : i1 to i32
    %sign3A_46 = arith.subi %sign3A_42, %sign3A_45 : i32
    %sign3A_47 = arith.constant 0 : i32
    %sign3A_48 = arith.cmpi sgt, %jit3A_38, %sign3A_47 : i32
    %sign3A_49 = arith.extui %sign3A_48 : i1 to i32
    %sign3A_50 = arith.constant 0 : i32
    %sign3A_51 = arith.cmpi slt, %jit3A_38, %sign3A_50 : i32
    %sign3A_52 = arith.extui %sign3A_51 : i1 to i32
    %sign3A_53 = arith.subi %sign3A_49, %sign3A_52 : i32
    %ne3A_54 = arith.cmpi ne, %sign3A_46, %sign3A_53 : i32
    %rem3A_55 = arith.remsi %mul3A_37, %jit3A_38 : i32
    %ne3A_56 = arith.constant 0 : i32
    %ne3A_57 = arith.cmpi ne, %rem3A_55, %ne3A_56 : i32
    %and3A_58 = arith.andi %ne3A_54, %ne3A_57 : i1
    %sub3A_59 = arith.constant 1 : i32
    %sub3A_60 = arith.subi %div3A_39, %sub3A_59 : i32
    %select_n3A_61 = arith.select %and3A_58, %sub3A_60, %div3A_39 : i32
    %mul3A_62 = arith.constant 4096 : i32
    %mul3A_63 = arith.muli %select_n3A_30, %mul3A_62 : i32
    %jit3A_64 = arith.constant 4096 : i32
    %eq3A_65 = arith.constant 0 : i32
    %eq3A_66 = arith.cmpi eq, %jit3A_64, %eq3A_65 : i32
    %jit3A_67 = arith.constant 1 : i32
    %select_n3A_68 = arith.select %eq3A_66, %jit3A_67, %jit3A_64 : i32
    %rem3A_69 = arith.remsi %mul3A_63, %select_n3A_68 : i32
    %ne3A_70 = arith.constant 0 : i32
    %ne3A_71 = arith.cmpi ne, %rem3A_69, %ne3A_70 : i32
    %lt3A_72 = arith.constant 0 : i32
    %lt3A_73 = arith.cmpi slt, %rem3A_69, %lt3A_72 : i32
    %lt3A_74 = arith.constant 0 : i32
    %lt3A_75 = arith.cmpi slt, %select_n3A_68, %lt3A_74 : i32
    %ne3A_76 = arith.xori %lt3A_73, %lt3A_75 : i1
    %and3A_77 = arith.andi %ne3A_76, %ne3A_71 : i1
    %add3A_78 = arith.addi %rem3A_69, %select_n3A_68 : i32
    %select_n3A_79 = arith.select %and3A_77, %add3A_78, %rem3A_69 : i32
    %mul3A_80 = arith.constant 65536 : i32
    %mul3A_81 = arith.muli %select_n3A_61, %mul3A_80 : i32
    %mul3A_82 = arith.constant 4096 : i32
    %mul3A_83 = arith.muli %select_n3A, %mul3A_82 : i32
    %add3A_84 = arith.addi %mul3A_81, %mul3A_83 : i32
    %add3A_85 = arith.addi %add3A_84, %select_n3A_79 : i32
    "tpu.region"() ({
      %run_scoped3A = tpu.sem_alloc : memref<!tpu.dma_semaphore, #tpu.memory_space<semaphore_mem>>
      %dma_start3A_90 = tpu.memref_slice %arg3[%add3A_85] : memref<131072xi32, #tpu.memory_space<hbm>> -> memref<4096xi32, #tpu.memory_space<hbm>>
      %dma_start3A_91 = tpu.memref_slice %arg3[%add3A_85] : memref<131072xi32, #tpu.memory_space<hbm>> -> memref<4096xi32, #tpu.memory_space<hbm>>
      tpu.enqueue_dma source(%dma_start3A_91 : memref<4096xi32, #tpu.memory_space<hbm>>) target(%arg5 : memref<4096xi32, #tpu.memory_space<vmem>>) target_semaphore(%run_scoped3A : memref<!tpu.dma_semaphore, #tpu.memory_space<semaphore_mem>>)
      %dma_wait3A_92 = tpu.memref_slice %arg3[%add3A_85] : memref<131072xi32, #tpu.memory_space<hbm>> -> memref<4096xi32, #tpu.memory_space<hbm>>
      %dma_wait3A_93 = tpu.memref_slice %arg3[%add3A_85] : memref<131072xi32, #tpu.memory_space<hbm>> -> memref<4096xi32, #tpu.memory_space<hbm>>
      tpu.wait_dma2 semaphore(%run_scoped3A : memref<!tpu.dma_semaphore, #tpu.memory_space<semaphore_mem>>) src(%dma_wait3A_93 : memref<4096xi32, #tpu.memory_space<hbm>>) dst(%arg5 : memref<4096xi32, #tpu.memory_space<vmem>>)
      tpu.yield
    }) : () -> ()
    %dma_start3A = arith.constant 0 : i32
    %dma_start3A_86 = arith.constant 0 : i32
    %dma_start3A_87 = tpu.memref_slice %arg2[%dma_start3A, %dma_start3A_86] : memref<8192x8xf32, #tpu.memory_space<hbm>> -> memref<8192x8xf32, #tpu.memory_space<hbm>>
    tpu.enqueue_indirect_dma source(%dma_start3A_87 : memref<8192x8xf32, #tpu.memory_space<hbm>>) target(%arg6 : memref<4096x8xf32, #tpu.memory_space<vmem>>) offsets(%arg5 : memref<4096xi32, #tpu.memory_space<vmem>>) semaphore(%arg7 : memref<!tpu.dma_semaphore, #tpu.memory_space<semaphore_mem>>)
    %dma_wait3A = arith.constant 0 : i32
    %dma_wait3A_88 = arith.constant 0 : i32
    %dma_wait3A_89 = tpu.memref_slice %arg2[%dma_wait3A, %dma_wait3A_88] : memref<8192x8xf32, #tpu.memory_space<hbm>> -> memref<8192x8xf32, #tpu.memory_space<hbm>>
    tpu.wait_indirect_dma semaphore(%arg7 : memref<!tpu.dma_semaphore, #tpu.memory_space<semaphore_mem>>) src(%dma_wait3A_89 : memref<8192x8xf32, #tpu.memory_space<hbm>>) dst(%arg6 : memref<4096x8xf32, #tpu.memory_space<vmem>>)
    "tpu.region"() ({
      %run_scoped3A = tpu.sem_alloc : memref<!tpu.dma_semaphore, #tpu.memory_space<semaphore_mem>>
      %dma_start3A_90 = arith.constant 0 : i32
      %dma_start3A_91 = tpu.memref_slice %arg4[%add3A_35, %dma_start3A_90] : memref<131072x8xf32, #tpu.memory_space<hbm>> -> memref<4096x8xf32, #tpu.memory_space<hbm>>
      %dma_start3A_92 = arith.constant 0 : i32
      %dma_start3A_93 = tpu.memref_slice %arg4[%add3A_35, %dma_start3A_92] : memref<131072x8xf32, #tpu.memory_space<hbm>> -> memref<4096x8xf32, #tpu.memory_space<hbm>>
      tpu.enqueue_dma source(%arg6 : memref<4096x8xf32, #tpu.memory_space<vmem>>) target(%dma_start3A_93 : memref<4096x8xf32, #tpu.memory_space<hbm>>) target_semaphore(%run_scoped3A : memref<!tpu.dma_semaphore, #tpu.memory_space<semaphore_mem>>)
      %dma_wait3A_94 = arith.constant 0 : i32
      %dma_wait3A_95 = tpu.memref_slice %arg4[%add3A_35, %dma_wait3A_94] : memref<131072x8xf32, #tpu.memory_space<hbm>> -> memref<4096x8xf32, #tpu.memory_space<hbm>>
      %dma_wait3A_96 = arith.constant 0 : i32
      %dma_wait3A_97 = tpu.memref_slice %arg4[%add3A_35, %dma_wait3A_96] : memref<131072x8xf32, #tpu.memory_space<hbm>> -> memref<4096x8xf32, #tpu.memory_space<hbm>>
      tpu.wait_dma2 semaphore(%run_scoped3A : memref<!tpu.dma_semaphore, #tpu.memory_space<semaphore_mem>>) src(%arg6 : memref<4096x8xf32, #tpu.memory_space<vmem>>) dst(%dma_wait3A_97 : memref<4096x8xf32, #tpu.memory_space<hbm>>)
      tpu.yield
    }) : () -> ()
    return
  }
}

module attributes {stable_mosaic.version = 14 : i64} {
  func.func @_topk_body(%arg0: i32, %arg1: i32, %arg2: memref<1x4096x8xf32, #tpu.memory_space<vmem>>, %arg3: memref<1x8x1024xf32, #tpu.memory_space<vmem>>, %arg4: memref<1x16x1024xi32, #tpu.memory_space<vmem>>) attributes {dimension_semantics = [#tpu.dimension_semantics<parallel>, #tpu.dimension_semantics<parallel>], iteration_bounds = array<i64: 2, 4>, scalar_prefetch = 0 : i64, scratch_operands = 0 : i64, tpu.core_type = #tpu.core_type<tc>, window_params = [{transform_indices = @transform_0, window_bounds = array<i64: 1, 4096, 8>}, {transform_indices = @transform_1, window_bounds = array<i64: 1, 8, 1024>}, {transform_indices = @transform_2, window_bounds = array<i64: 1, 16, 1024>}]} {
    %get3A = arith.constant 0 : index
    %get3A_0 = arith.constant 0 : index
    %get3A_1 = arith.constant 0 : index
    %get3A_2 = vector.load %arg2[%get3A, %get3A_0, %get3A_1] : memref<1x4096x8xf32, #tpu.memory_space<vmem>>, vector<1x4096x8xf32>
    %get3A_3 = vector.shape_cast %get3A_2 : vector<1x4096x8xf32> to vector<4096x8xf32>
    %get3A_4 = arith.constant 0 : index
    %get3A_5 = arith.constant 0 : index
    %get3A_6 = arith.constant 0 : index
    %get3A_7 = vector.load %arg3[%get3A_4, %get3A_5, %get3A_6] : memref<1x8x1024xf32, #tpu.memory_space<vmem>>, vector<1x8x1024xf32>
    %get3A_8 = vector.shape_cast %get3A_7 : vector<1x8x1024xf32> to vector<8x1024xf32>
    %dot_general3A = arith.constant dense<0.000000e+00> : vector<4096x1024xf32>
    %dot_general3A_9 = tpu.matmul %get3A_3, %get3A_8, %dot_general3A {dimension_numbers = #tpu.dot_dimension_numbers<[1], [0], [0], [1], [0, 0, 1, 1], [], []>, transpose_lhs_hint = false} : vector<4096x8xf32>, vector<8x1024xf32>, vector<4096x1024xf32> -> vector<4096x1024xf32>
    %mul3A = arith.mulf %get3A_3, %get3A_3 : vector<4096x8xf32>
    %reduce_sum3A = arith.constant dense<0.000000e+00> : vector<4096xf32>
    %reduce_sum3A_10 = vector.multi_reduction <add>, %mul3A, %reduce_sum3A [1] : vector<4096x8xf32> to vector<4096xf32>
    %broadcast_in_dim3A = vector.shape_cast %reduce_sum3A_10 : vector<4096xf32> to vector<4096x1xf32>
    %mul3A_11 = arith.mulf %get3A_8, %get3A_8 : vector<8x1024xf32>
    %reduce_sum3A_12 = arith.constant dense<0.000000e+00> : vector<1024xf32>
    %reduce_sum3A_13 = vector.multi_reduction <add>, %mul3A_11, %reduce_sum3A_12 [0] : vector<8x1024xf32> to vector<1024xf32>
    %broadcast_in_dim3A_14 = vector.shape_cast %reduce_sum3A_13 : vector<1024xf32> to vector<1x1024xf32>
    %add3A = vector.broadcast %broadcast_in_dim3A : vector<4096x1xf32> to vector<4096x1024xf32>
    %add3A_15 = vector.broadcast %broadcast_in_dim3A_14 : vector<1x1024xf32> to vector<4096x1024xf32>
    %add3A_16 = arith.addf %add3A, %add3A_15 : vector<4096x1024xf32>
    %mul3A_17 = arith.constant 2.000000e+00 : f32
    %mul3A_18 = vector.broadcast %mul3A_17 : f32 to vector<4096x1024xf32>
    %mul3A_19 = arith.mulf %mul3A_18, %dot_general3A_9 : vector<4096x1024xf32>
    %sub3A = arith.subf %add3A_16, %mul3A_19 : vector<4096x1024xf32>
    %bitcast_convert_type3A = tpu.bitcast %sub3A : vector<4096x1024xf32> -> vector<4096x1024xi32>
    %reshape3A = vector.shape_cast %bitcast_convert_type3A : vector<4096x1024xi32> to vector<64x64x1024xi32>
    %iota3A = tpu.iota {dimensions = array<i32: 1>} : vector<64x64x1024xi32>
    %iota3A_20 = tpu.iota {dimensions = array<i32: 0>} : vector<64x64x1024xi32>
    %iota3A_21 = tpu.iota {dimensions = array<i32: 2>} : vector<64x64x1024xi32>
    %mul3A_22 = arith.constant 1024 : i32
    %mul3A_23 = arith.muli %arg1, %mul3A_22 : i32
    %add3A_24 = vector.broadcast %mul3A_23 : i32 to vector<64x64x1024xi32>
    %add3A_25 = arith.addi %iota3A_21, %add3A_24 : vector<64x64x1024xi32>
    %and3A = arith.constant -64 : i32
    %and3A_26 = vector.broadcast %and3A : i32 to vector<64x64x1024xi32>
    %and3A_27 = arith.andi %reshape3A, %and3A_26 : vector<64x64x1024xi32>
    %or3A = arith.ori %and3A_27, %iota3A : vector<64x64x1024xi32>
    %bitcast_convert_type3A_28 = tpu.bitcast %or3A : vector<64x64x1024xi32> -> vector<64x64x1024xf32>
    %mul3A_29 = arith.constant 64 : i32
    %mul3A_30 = vector.broadcast %mul3A_29 : i32 to vector<64x64x1024xi32>
    %mul3A_31 = arith.muli %iota3A_20, %mul3A_30 : vector<64x64x1024xi32>
    %add3A_32 = arith.addi %mul3A_31, %iota3A : vector<64x64x1024xi32>
    %eq3A = arith.cmpi eq, %add3A_32, %add3A_25 : vector<64x64x1024xi32>
    %jit3A = arith.constant 0x7F800000 : f32
    %broadcast_in_dim3A_33 = vector.broadcast %jit3A : f32 to vector<64x64x1024xf32>
    %select_n3A = arith.select %eq3A, %broadcast_in_dim3A_33, %bitcast_convert_type3A_28 : vector<64x64x1024xi1>, vector<64x64x1024xf32>
    %broadcast_in_dim3A_34 = arith.constant 0x7F800000 : f32
    %broadcast_in_dim3A_35 = vector.broadcast %broadcast_in_dim3A_34 : f32 to vector<64x4x1024xf32>
    %iota3A_36 = tpu.iota {dimensions = array<i32: 1>} : vector<64x4x1024xi32>
    %reduce_min3A = arith.constant dense<0x7F800000> : vector<64x1024xf32>
    %reduce_min3A_37 = vector.multi_reduction <minimumf>, %select_n3A, %reduce_min3A [1] : vector<64x64x1024xf32> to vector<64x1024xf32>
    %broadcast_in_dim3A_38 = vector.shape_cast %reduce_min3A_37 : vector<64x1024xf32> to vector<64x1x1024xf32>
    %eq3A_39 = vector.broadcast %broadcast_in_dim3A_38 : vector<64x1x1024xf32> to vector<64x64x1024xf32>
    %eq3A_40 = arith.cmpf oeq, %select_n3A, %eq3A_39 : vector<64x64x1024xf32>
    %jit3A_41 = arith.constant 0x7F800000 : f32
    %broadcast_in_dim3A_42 = vector.broadcast %jit3A_41 : f32 to vector<64x64x1024xf32>
    %select_n3A_43 = arith.select %eq3A_40, %broadcast_in_dim3A_42, %select_n3A : vector<64x64x1024xi1>, vector<64x64x1024xf32>
    %eq3A_44 = arith.constant 0 : i32
    %eq3A_45 = vector.broadcast %eq3A_44 : i32 to vector<64x4x1024xi32>
    %eq3A_46 = arith.cmpi eq, %iota3A_36, %eq3A_45 : vector<64x4x1024xi32>
    %broadcast_in_dim3A_47 = vector.shape_cast %reduce_min3A_37 : vector<64x1024xf32> to vector<64x1x1024xf32>
    %broadcast_in_dim3A_48 = vector.shape_cast %broadcast_in_dim3A_47 : vector<64x1x1024xf32> to vector<64x1x1024xf32>
    %broadcast_in_dim3A_49 = vector.broadcast %broadcast_in_dim3A_48 : vector<64x1x1024xf32> to vector<64x4x1024xf32>
    %select_n3A_50 = arith.select %eq3A_46, %broadcast_in_dim3A_49, %broadcast_in_dim3A_35 : vector<64x4x1024xi1>, vector<64x4x1024xf32>
    %reduce_min3A_51 = arith.constant dense<0x7F800000> : vector<64x1024xf32>
    %reduce_min3A_52 = vector.multi_reduction <minimumf>, %select_n3A_43, %reduce_min3A_51 [1] : vector<64x64x1024xf32> to vector<64x1024xf32>
    %broadcast_in_dim3A_53 = vector.shape_cast %reduce_min3A_52 : vector<64x1024xf32> to vector<64x1x1024xf32>
    %eq3A_54 = vector.broadcast %broadcast_in_dim3A_53 : vector<64x1x1024xf32> to vector<64x64x1024xf32>
    %eq3A_55 = arith.cmpf oeq, %select_n3A_43, %eq3A_54 : vector<64x64x1024xf32>
    %jit3A_56 = arith.constant 0x7F800000 : f32
    %broadcast_in_dim3A_57 = vector.broadcast %jit3A_56 : f32 to vector<64x64x1024xf32>
    %select_n3A_58 = arith.select %eq3A_55, %broadcast_in_dim3A_57, %select_n3A_43 : vector<64x64x1024xi1>, vector<64x64x1024xf32>
    %eq3A_59 = arith.constant 1 : i32
    %eq3A_60 = vector.broadcast %eq3A_59 : i32 to vector<64x4x1024xi32>
    %eq3A_61 = arith.cmpi eq, %iota3A_36, %eq3A_60 : vector<64x4x1024xi32>
    %broadcast_in_dim3A_62 = vector.shape_cast %reduce_min3A_52 : vector<64x1024xf32> to vector<64x1x1024xf32>
    %broadcast_in_dim3A_63 = vector.shape_cast %broadcast_in_dim3A_62 : vector<64x1x1024xf32> to vector<64x1x1024xf32>
    %broadcast_in_dim3A_64 = vector.broadcast %broadcast_in_dim3A_63 : vector<64x1x1024xf32> to vector<64x4x1024xf32>
    %select_n3A_65 = arith.select %eq3A_61, %broadcast_in_dim3A_64, %select_n3A_50 : vector<64x4x1024xi1>, vector<64x4x1024xf32>
    %reduce_min3A_66 = arith.constant dense<0x7F800000> : vector<64x1024xf32>
    %reduce_min3A_67 = vector.multi_reduction <minimumf>, %select_n3A_58, %reduce_min3A_66 [1] : vector<64x64x1024xf32> to vector<64x1024xf32>
    %broadcast_in_dim3A_68 = vector.shape_cast %reduce_min3A_67 : vector<64x1024xf32> to vector<64x1x1024xf32>
    %eq3A_69 = vector.broadcast %broadcast_in_dim3A_68 : vector<64x1x1024xf32> to vector<64x64x1024xf32>
    %eq3A_70 = arith.cmpf oeq, %select_n3A_58, %eq3A_69 : vector<64x64x1024xf32>
    %jit3A_71 = arith.constant 0x7F800000 : f32
    %broadcast_in_dim3A_72 = vector.broadcast %jit3A_71 : f32 to vector<64x64x1024xf32>
    %select_n3A_73 = arith.select %eq3A_70, %broadcast_in_dim3A_72, %select_n3A_58 : vector<64x64x1024xi1>, vector<64x64x1024xf32>
    %eq3A_74 = arith.constant 2 : i32
    %eq3A_75 = vector.broadcast %eq3A_74 : i32 to vector<64x4x1024xi32>
    %eq3A_76 = arith.cmpi eq, %iota3A_36, %eq3A_75 : vector<64x4x1024xi32>
    %broadcast_in_dim3A_77 = vector.shape_cast %reduce_min3A_67 : vector<64x1024xf32> to vector<64x1x1024xf32>
    %broadcast_in_dim3A_78 = vector.shape_cast %broadcast_in_dim3A_77 : vector<64x1x1024xf32> to vector<64x1x1024xf32>
    %broadcast_in_dim3A_79 = vector.broadcast %broadcast_in_dim3A_78 : vector<64x1x1024xf32> to vector<64x4x1024xf32>
    %select_n3A_80 = arith.select %eq3A_76, %broadcast_in_dim3A_79, %select_n3A_65 : vector<64x4x1024xi1>, vector<64x4x1024xf32>
    %reduce_min3A_81 = arith.constant dense<0x7F800000> : vector<64x1024xf32>
    %reduce_min3A_82 = vector.multi_reduction <minimumf>, %select_n3A_73, %reduce_min3A_81 [1] : vector<64x64x1024xf32> to vector<64x1024xf32>
    %eq3A_83 = arith.constant 3 : i32
    %eq3A_84 = vector.broadcast %eq3A_83 : i32 to vector<64x4x1024xi32>
    %eq3A_85 = arith.cmpi eq, %iota3A_36, %eq3A_84 : vector<64x4x1024xi32>
    %broadcast_in_dim3A_86 = vector.shape_cast %reduce_min3A_82 : vector<64x1024xf32> to vector<64x1x1024xf32>
    %broadcast_in_dim3A_87 = vector.shape_cast %broadcast_in_dim3A_86 : vector<64x1x1024xf32> to vector<64x1x1024xf32>
    %broadcast_in_dim3A_88 = vector.broadcast %broadcast_in_dim3A_87 : vector<64x1x1024xf32> to vector<64x4x1024xf32>
    %select_n3A_89 = arith.select %eq3A_85, %broadcast_in_dim3A_88, %select_n3A_80 : vector<64x4x1024xi1>, vector<64x4x1024xf32>
    %bitcast_convert_type3A_90 = tpu.bitcast %select_n3A_89 : vector<64x4x1024xf32> -> vector<64x4x1024xi32>
    %iota3A_91 = tpu.iota {dimensions = array<i32: 0>} : vector<64x4x1024xi32>
    %and3A_92 = arith.constant -4096 : i32
    %and3A_93 = vector.broadcast %and3A_92 : i32 to vector<64x4x1024xi32>
    %and3A_94 = arith.andi %bitcast_convert_type3A_90, %and3A_93 : vector<64x4x1024xi32>
    %mul3A_95 = arith.constant 64 : i32
    %mul3A_96 = vector.broadcast %mul3A_95 : i32 to vector<64x4x1024xi32>
    %mul3A_97 = arith.muli %iota3A_91, %mul3A_96 : vector<64x4x1024xi32>
    %or3A_98 = arith.ori %and3A_94, %mul3A_97 : vector<64x4x1024xi32>
    %and3A_99 = arith.constant 63 : i32
    %and3A_100 = vector.broadcast %and3A_99 : i32 to vector<64x4x1024xi32>
    %and3A_101 = arith.andi %bitcast_convert_type3A_90, %and3A_100 : vector<64x4x1024xi32>
    %or3A_102 = arith.ori %or3A_98, %and3A_101 : vector<64x4x1024xi32>
    %bitcast_convert_type3A_103 = tpu.bitcast %or3A_102 : vector<64x4x1024xi32> -> vector<64x4x1024xf32>
    %reshape3A_104 = vector.shape_cast %bitcast_convert_type3A_103 : vector<64x4x1024xf32> to vector<256x1024xf32>
    %broadcast_in_dim3A_105 = arith.constant 0 : i32
    %broadcast_in_dim3A_106 = vector.broadcast %broadcast_in_dim3A_105 : i32 to vector<16x1024xi32>
    %iota3A_107 = tpu.iota {dimensions = array<i32: 0>} : vector<16x1024xi32>
    %reduce_min3A_108 = arith.constant dense<0x7F800000> : vector<1024xf32>
    %reduce_min3A_109 = vector.multi_reduction <minimumf>, %reshape3A_104, %reduce_min3A_108 [0] : vector<256x1024xf32> to vector<1024xf32>
    %broadcast_in_dim3A_110 = vector.shape_cast %reduce_min3A_109 : vector<1024xf32> to vector<1x1024xf32>
    %eq3A_111 = vector.broadcast %broadcast_in_dim3A_110 : vector<1x1024xf32> to vector<256x1024xf32>
    %eq3A_112 = arith.cmpf oeq, %reshape3A_104, %eq3A_111 : vector<256x1024xf32>
    %jit3A_113 = arith.constant 0x7F800000 : f32
    %broadcast_in_dim3A_114 = vector.broadcast %jit3A_113 : f32 to vector<256x1024xf32>
    %select_n3A_115 = arith.select %eq3A_112, %broadcast_in_dim3A_114, %reshape3A_104 : vector<256x1024xi1>, vector<256x1024xf32>
    %bitcast_convert_type3A_116 = tpu.bitcast %reduce_min3A_109 : vector<1024xf32> -> vector<1024xi32>
    %and3A_117 = arith.constant 4095 : i32
    %and3A_118 = vector.broadcast %and3A_117 : i32 to vector<1024xi32>
    %and3A_119 = arith.andi %bitcast_convert_type3A_116, %and3A_118 : vector<1024xi32>
    %mul3A_120 = arith.constant 4096 : i32
    %mul3A_121 = arith.muli %arg0, %mul3A_120 : i32
    %add3A_122 = vector.broadcast %mul3A_121 : i32 to vector<1024xi32>
    %add3A_123 = arith.addi %and3A_119, %add3A_122 : vector<1024xi32>
    %eq3A_124 = arith.constant 0 : i32
    %eq3A_125 = vector.broadcast %eq3A_124 : i32 to vector<16x1024xi32>
    %eq3A_126 = arith.cmpi eq, %iota3A_107, %eq3A_125 : vector<16x1024xi32>
    %broadcast_in_dim3A_127 = vector.shape_cast %add3A_123 : vector<1024xi32> to vector<1x1024xi32>
    %broadcast_in_dim3A_128 = vector.shape_cast %broadcast_in_dim3A_127 : vector<1x1024xi32> to vector<1x1024xi32>
    %broadcast_in_dim3A_129 = vector.broadcast %broadcast_in_dim3A_128 : vector<1x1024xi32> to vector<16x1024xi32>
    %select_n3A_130 = arith.select %eq3A_126, %broadcast_in_dim3A_129, %broadcast_in_dim3A_106 : vector<16x1024xi1>, vector<16x1024xi32>
    %reduce_min3A_131 = arith.constant dense<0x7F800000> : vector<1024xf32>
    %reduce_min3A_132 = vector.multi_reduction <minimumf>, %select_n3A_115, %reduce_min3A_131 [0] : vector<256x1024xf32> to vector<1024xf32>
    %broadcast_in_dim3A_133 = vector.shape_cast %reduce_min3A_132 : vector<1024xf32> to vector<1x1024xf32>
    %eq3A_134 = vector.broadcast %broadcast_in_dim3A_133 : vector<1x1024xf32> to vector<256x1024xf32>
    %eq3A_135 = arith.cmpf oeq, %select_n3A_115, %eq3A_134 : vector<256x1024xf32>
    %jit3A_136 = arith.constant 0x7F800000 : f32
    %broadcast_in_dim3A_137 = vector.broadcast %jit3A_136 : f32 to vector<256x1024xf32>
    %select_n3A_138 = arith.select %eq3A_135, %broadcast_in_dim3A_137, %select_n3A_115 : vector<256x1024xi1>, vector<256x1024xf32>
    %bitcast_convert_type3A_139 = tpu.bitcast %reduce_min3A_132 : vector<1024xf32> -> vector<1024xi32>
    %and3A_140 = arith.constant 4095 : i32
    %and3A_141 = vector.broadcast %and3A_140 : i32 to vector<1024xi32>
    %and3A_142 = arith.andi %bitcast_convert_type3A_139, %and3A_141 : vector<1024xi32>
    %mul3A_143 = arith.constant 4096 : i32
    %mul3A_144 = arith.muli %arg0, %mul3A_143 : i32
    %add3A_145 = vector.broadcast %mul3A_144 : i32 to vector<1024xi32>
    %add3A_146 = arith.addi %and3A_142, %add3A_145 : vector<1024xi32>
    %eq3A_147 = arith.constant 1 : i32
    %eq3A_148 = vector.broadcast %eq3A_147 : i32 to vector<16x1024xi32>
    %eq3A_149 = arith.cmpi eq, %iota3A_107, %eq3A_148 : vector<16x1024xi32>
    %broadcast_in_dim3A_150 = vector.shape_cast %add3A_146 : vector<1024xi32> to vector<1x1024xi32>
    %broadcast_in_dim3A_151 = vector.shape_cast %broadcast_in_dim3A_150 : vector<1x1024xi32> to vector<1x1024xi32>
    %broadcast_in_dim3A_152 = vector.broadcast %broadcast_in_dim3A_151 : vector<1x1024xi32> to vector<16x1024xi32>
    %select_n3A_153 = arith.select %eq3A_149, %broadcast_in_dim3A_152, %select_n3A_130 : vector<16x1024xi1>, vector<16x1024xi32>
    %reduce_min3A_154 = arith.constant dense<0x7F800000> : vector<1024xf32>
    %reduce_min3A_155 = vector.multi_reduction <minimumf>, %select_n3A_138, %reduce_min3A_154 [0] : vector<256x1024xf32> to vector<1024xf32>
    %broadcast_in_dim3A_156 = vector.shape_cast %reduce_min3A_155 : vector<1024xf32> to vector<1x1024xf32>
    %eq3A_157 = vector.broadcast %broadcast_in_dim3A_156 : vector<1x1024xf32> to vector<256x1024xf32>
    %eq3A_158 = arith.cmpf oeq, %select_n3A_138, %eq3A_157 : vector<256x1024xf32>
    %jit3A_159 = arith.constant 0x7F800000 : f32
    %broadcast_in_dim3A_160 = vector.broadcast %jit3A_159 : f32 to vector<256x1024xf32>
    %select_n3A_161 = arith.select %eq3A_158, %broadcast_in_dim3A_160, %select_n3A_138 : vector<256x1024xi1>, vector<256x1024xf32>
    %bitcast_convert_type3A_162 = tpu.bitcast %reduce_min3A_155 : vector<1024xf32> -> vector<1024xi32>
    %and3A_163 = arith.constant 4095 : i32
    %and3A_164 = vector.broadcast %and3A_163 : i32 to vector<1024xi32>
    %and3A_165 = arith.andi %bitcast_convert_type3A_162, %and3A_164 : vector<1024xi32>
    %mul3A_166 = arith.constant 4096 : i32
    %mul3A_167 = arith.muli %arg0, %mul3A_166 : i32
    %add3A_168 = vector.broadcast %mul3A_167 : i32 to vector<1024xi32>
    %add3A_169 = arith.addi %and3A_165, %add3A_168 : vector<1024xi32>
    %eq3A_170 = arith.constant 2 : i32
    %eq3A_171 = vector.broadcast %eq3A_170 : i32 to vector<16x1024xi32>
    %eq3A_172 = arith.cmpi eq, %iota3A_107, %eq3A_171 : vector<16x1024xi32>
    %broadcast_in_dim3A_173 = vector.shape_cast %add3A_169 : vector<1024xi32> to vector<1x1024xi32>
    %broadcast_in_dim3A_174 = vector.shape_cast %broadcast_in_dim3A_173 : vector<1x1024xi32> to vector<1x1024xi32>
    %broadcast_in_dim3A_175 = vector.broadcast %broadcast_in_dim3A_174 : vector<1x1024xi32> to vector<16x1024xi32>
    %select_n3A_176 = arith.select %eq3A_172, %broadcast_in_dim3A_175, %select_n3A_153 : vector<16x1024xi1>, vector<16x1024xi32>
    %reduce_min3A_177 = arith.constant dense<0x7F800000> : vector<1024xf32>
    %reduce_min3A_178 = vector.multi_reduction <minimumf>, %select_n3A_161, %reduce_min3A_177 [0] : vector<256x1024xf32> to vector<1024xf32>
    %broadcast_in_dim3A_179 = vector.shape_cast %reduce_min3A_178 : vector<1024xf32> to vector<1x1024xf32>
    %eq3A_180 = vector.broadcast %broadcast_in_dim3A_179 : vector<1x1024xf32> to vector<256x1024xf32>
    %eq3A_181 = arith.cmpf oeq, %select_n3A_161, %eq3A_180 : vector<256x1024xf32>
    %jit3A_182 = arith.constant 0x7F800000 : f32
    %broadcast_in_dim3A_183 = vector.broadcast %jit3A_182 : f32 to vector<256x1024xf32>
    %select_n3A_184 = arith.select %eq3A_181, %broadcast_in_dim3A_183, %select_n3A_161 : vector<256x1024xi1>, vector<256x1024xf32>
    %bitcast_convert_type3A_185 = tpu.bitcast %reduce_min3A_178 : vector<1024xf32> -> vector<1024xi32>
    %and3A_186 = arith.constant 4095 : i32
    %and3A_187 = vector.broadcast %and3A_186 : i32 to vector<1024xi32>
    %and3A_188 = arith.andi %bitcast_convert_type3A_185, %and3A_187 : vector<1024xi32>
    %mul3A_189 = arith.constant 4096 : i32
    %mul3A_190 = arith.muli %arg0, %mul3A_189 : i32
    %add3A_191 = vector.broadcast %mul3A_190 : i32 to vector<1024xi32>
    %add3A_192 = arith.addi %and3A_188, %add3A_191 : vector<1024xi32>
    %eq3A_193 = arith.constant 3 : i32
    %eq3A_194 = vector.broadcast %eq3A_193 : i32 to vector<16x1024xi32>
    %eq3A_195 = arith.cmpi eq, %iota3A_107, %eq3A_194 : vector<16x1024xi32>
    %broadcast_in_dim3A_196 = vector.shape_cast %add3A_192 : vector<1024xi32> to vector<1x1024xi32>
    %broadcast_in_dim3A_197 = vector.shape_cast %broadcast_in_dim3A_196 : vector<1x1024xi32> to vector<1x1024xi32>
    %broadcast_in_dim3A_198 = vector.broadcast %broadcast_in_dim3A_197 : vector<1x1024xi32> to vector<16x1024xi32>
    %select_n3A_199 = arith.select %eq3A_195, %broadcast_in_dim3A_198, %select_n3A_176 : vector<16x1024xi1>, vector<16x1024xi32>
    %reduce_min3A_200 = arith.constant dense<0x7F800000> : vector<1024xf32>
    %reduce_min3A_201 = vector.multi_reduction <minimumf>, %select_n3A_184, %reduce_min3A_200 [0] : vector<256x1024xf32> to vector<1024xf32>
    %broadcast_in_dim3A_202 = vector.shape_cast %reduce_min3A_201 : vector<1024xf32> to vector<1x1024xf32>
    %eq3A_203 = vector.broadcast %broadcast_in_dim3A_202 : vector<1x1024xf32> to vector<256x1024xf32>
    %eq3A_204 = arith.cmpf oeq, %select_n3A_184, %eq3A_203 : vector<256x1024xf32>
    %jit3A_205 = arith.constant 0x7F800000 : f32
    %broadcast_in_dim3A_206 = vector.broadcast %jit3A_205 : f32 to vector<256x1024xf32>
    %select_n3A_207 = arith.select %eq3A_204, %broadcast_in_dim3A_206, %select_n3A_184 : vector<256x1024xi1>, vector<256x1024xf32>
    %bitcast_convert_type3A_208 = tpu.bitcast %reduce_min3A_201 : vector<1024xf32> -> vector<1024xi32>
    %and3A_209 = arith.constant 4095 : i32
    %and3A_210 = vector.broadcast %and3A_209 : i32 to vector<1024xi32>
    %and3A_211 = arith.andi %bitcast_convert_type3A_208, %and3A_210 : vector<1024xi32>
    %mul3A_212 = arith.constant 4096 : i32
    %mul3A_213 = arith.muli %arg0, %mul3A_212 : i32
    %add3A_214 = vector.broadcast %mul3A_213 : i32 to vector<1024xi32>
    %add3A_215 = arith.addi %and3A_211, %add3A_214 : vector<1024xi32>
    %eq3A_216 = arith.constant 4 : i32
    %eq3A_217 = vector.broadcast %eq3A_216 : i32 to vector<16x1024xi32>
    %eq3A_218 = arith.cmpi eq, %iota3A_107, %eq3A_217 : vector<16x1024xi32>
    %broadcast_in_dim3A_219 = vector.shape_cast %add3A_215 : vector<1024xi32> to vector<1x1024xi32>
    %broadcast_in_dim3A_220 = vector.shape_cast %broadcast_in_dim3A_219 : vector<1x1024xi32> to vector<1x1024xi32>
    %broadcast_in_dim3A_221 = vector.broadcast %broadcast_in_dim3A_220 : vector<1x1024xi32> to vector<16x1024xi32>
    %select_n3A_222 = arith.select %eq3A_218, %broadcast_in_dim3A_221, %select_n3A_199 : vector<16x1024xi1>, vector<16x1024xi32>
    %reduce_min3A_223 = arith.constant dense<0x7F800000> : vector<1024xf32>
    %reduce_min3A_224 = vector.multi_reduction <minimumf>, %select_n3A_207, %reduce_min3A_223 [0] : vector<256x1024xf32> to vector<1024xf32>
    %broadcast_in_dim3A_225 = vector.shape_cast %reduce_min3A_224 : vector<1024xf32> to vector<1x1024xf32>
    %eq3A_226 = vector.broadcast %broadcast_in_dim3A_225 : vector<1x1024xf32> to vector<256x1024xf32>
    %eq3A_227 = arith.cmpf oeq, %select_n3A_207, %eq3A_226 : vector<256x1024xf32>
    %jit3A_228 = arith.constant 0x7F800000 : f32
    %broadcast_in_dim3A_229 = vector.broadcast %jit3A_228 : f32 to vector<256x1024xf32>
    %select_n3A_230 = arith.select %eq3A_227, %broadcast_in_dim3A_229, %select_n3A_207 : vector<256x1024xi1>, vector<256x1024xf32>
    %bitcast_convert_type3A_231 = tpu.bitcast %reduce_min3A_224 : vector<1024xf32> -> vector<1024xi32>
    %and3A_232 = arith.constant 4095 : i32
    %and3A_233 = vector.broadcast %and3A_232 : i32 to vector<1024xi32>
    %and3A_234 = arith.andi %bitcast_convert_type3A_231, %and3A_233 : vector<1024xi32>
    %mul3A_235 = arith.constant 4096 : i32
    %mul3A_236 = arith.muli %arg0, %mul3A_235 : i32
    %add3A_237 = vector.broadcast %mul3A_236 : i32 to vector<1024xi32>
    %add3A_238 = arith.addi %and3A_234, %add3A_237 : vector<1024xi32>
    %eq3A_239 = arith.constant 5 : i32
    %eq3A_240 = vector.broadcast %eq3A_239 : i32 to vector<16x1024xi32>
    %eq3A_241 = arith.cmpi eq, %iota3A_107, %eq3A_240 : vector<16x1024xi32>
    %broadcast_in_dim3A_242 = vector.shape_cast %add3A_238 : vector<1024xi32> to vector<1x1024xi32>
    %broadcast_in_dim3A_243 = vector.shape_cast %broadcast_in_dim3A_242 : vector<1x1024xi32> to vector<1x1024xi32>
    %broadcast_in_dim3A_244 = vector.broadcast %broadcast_in_dim3A_243 : vector<1x1024xi32> to vector<16x1024xi32>
    %select_n3A_245 = arith.select %eq3A_241, %broadcast_in_dim3A_244, %select_n3A_222 : vector<16x1024xi1>, vector<16x1024xi32>
    %reduce_min3A_246 = arith.constant dense<0x7F800000> : vector<1024xf32>
    %reduce_min3A_247 = vector.multi_reduction <minimumf>, %select_n3A_230, %reduce_min3A_246 [0] : vector<256x1024xf32> to vector<1024xf32>
    %broadcast_in_dim3A_248 = vector.shape_cast %reduce_min3A_247 : vector<1024xf32> to vector<1x1024xf32>
    %eq3A_249 = vector.broadcast %broadcast_in_dim3A_248 : vector<1x1024xf32> to vector<256x1024xf32>
    %eq3A_250 = arith.cmpf oeq, %select_n3A_230, %eq3A_249 : vector<256x1024xf32>
    %jit3A_251 = arith.constant 0x7F800000 : f32
    %broadcast_in_dim3A_252 = vector.broadcast %jit3A_251 : f32 to vector<256x1024xf32>
    %select_n3A_253 = arith.select %eq3A_250, %broadcast_in_dim3A_252, %select_n3A_230 : vector<256x1024xi1>, vector<256x1024xf32>
    %bitcast_convert_type3A_254 = tpu.bitcast %reduce_min3A_247 : vector<1024xf32> -> vector<1024xi32>
    %and3A_255 = arith.constant 4095 : i32
    %and3A_256 = vector.broadcast %and3A_255 : i32 to vector<1024xi32>
    %and3A_257 = arith.andi %bitcast_convert_type3A_254, %and3A_256 : vector<1024xi32>
    %mul3A_258 = arith.constant 4096 : i32
    %mul3A_259 = arith.muli %arg0, %mul3A_258 : i32
    %add3A_260 = vector.broadcast %mul3A_259 : i32 to vector<1024xi32>
    %add3A_261 = arith.addi %and3A_257, %add3A_260 : vector<1024xi32>
    %eq3A_262 = arith.constant 6 : i32
    %eq3A_263 = vector.broadcast %eq3A_262 : i32 to vector<16x1024xi32>
    %eq3A_264 = arith.cmpi eq, %iota3A_107, %eq3A_263 : vector<16x1024xi32>
    %broadcast_in_dim3A_265 = vector.shape_cast %add3A_261 : vector<1024xi32> to vector<1x1024xi32>
    %broadcast_in_dim3A_266 = vector.shape_cast %broadcast_in_dim3A_265 : vector<1x1024xi32> to vector<1x1024xi32>
    %broadcast_in_dim3A_267 = vector.broadcast %broadcast_in_dim3A_266 : vector<1x1024xi32> to vector<16x1024xi32>
    %select_n3A_268 = arith.select %eq3A_264, %broadcast_in_dim3A_267, %select_n3A_245 : vector<16x1024xi1>, vector<16x1024xi32>
    %reduce_min3A_269 = arith.constant dense<0x7F800000> : vector<1024xf32>
    %reduce_min3A_270 = vector.multi_reduction <minimumf>, %select_n3A_253, %reduce_min3A_269 [0] : vector<256x1024xf32> to vector<1024xf32>
    %broadcast_in_dim3A_271 = vector.shape_cast %reduce_min3A_270 : vector<1024xf32> to vector<1x1024xf32>
    %eq3A_272 = vector.broadcast %broadcast_in_dim3A_271 : vector<1x1024xf32> to vector<256x1024xf32>
    %eq3A_273 = arith.cmpf oeq, %select_n3A_253, %eq3A_272 : vector<256x1024xf32>
    %jit3A_274 = arith.constant 0x7F800000 : f32
    %broadcast_in_dim3A_275 = vector.broadcast %jit3A_274 : f32 to vector<256x1024xf32>
    %select_n3A_276 = arith.select %eq3A_273, %broadcast_in_dim3A_275, %select_n3A_253 : vector<256x1024xi1>, vector<256x1024xf32>
    %bitcast_convert_type3A_277 = tpu.bitcast %reduce_min3A_270 : vector<1024xf32> -> vector<1024xi32>
    %and3A_278 = arith.constant 4095 : i32
    %and3A_279 = vector.broadcast %and3A_278 : i32 to vector<1024xi32>
    %and3A_280 = arith.andi %bitcast_convert_type3A_277, %and3A_279 : vector<1024xi32>
    %mul3A_281 = arith.constant 4096 : i32
    %mul3A_282 = arith.muli %arg0, %mul3A_281 : i32
    %add3A_283 = vector.broadcast %mul3A_282 : i32 to vector<1024xi32>
    %add3A_284 = arith.addi %and3A_280, %add3A_283 : vector<1024xi32>
    %eq3A_285 = arith.constant 7 : i32
    %eq3A_286 = vector.broadcast %eq3A_285 : i32 to vector<16x1024xi32>
    %eq3A_287 = arith.cmpi eq, %iota3A_107, %eq3A_286 : vector<16x1024xi32>
    %broadcast_in_dim3A_288 = vector.shape_cast %add3A_284 : vector<1024xi32> to vector<1x1024xi32>
    %broadcast_in_dim3A_289 = vector.shape_cast %broadcast_in_dim3A_288 : vector<1x1024xi32> to vector<1x1024xi32>
    %broadcast_in_dim3A_290 = vector.broadcast %broadcast_in_dim3A_289 : vector<1x1024xi32> to vector<16x1024xi32>
    %select_n3A_291 = arith.select %eq3A_287, %broadcast_in_dim3A_290, %select_n3A_268 : vector<16x1024xi1>, vector<16x1024xi32>
    %reduce_min3A_292 = arith.constant dense<0x7F800000> : vector<1024xf32>
    %reduce_min3A_293 = vector.multi_reduction <minimumf>, %select_n3A_276, %reduce_min3A_292 [0] : vector<256x1024xf32> to vector<1024xf32>
    %broadcast_in_dim3A_294 = vector.shape_cast %reduce_min3A_293 : vector<1024xf32> to vector<1x1024xf32>
    %eq3A_295 = vector.broadcast %broadcast_in_dim3A_294 : vector<1x1024xf32> to vector<256x1024xf32>
    %eq3A_296 = arith.cmpf oeq, %select_n3A_276, %eq3A_295 : vector<256x1024xf32>
    %jit3A_297 = arith.constant 0x7F800000 : f32
    %broadcast_in_dim3A_298 = vector.broadcast %jit3A_297 : f32 to vector<256x1024xf32>
    %select_n3A_299 = arith.select %eq3A_296, %broadcast_in_dim3A_298, %select_n3A_276 : vector<256x1024xi1>, vector<256x1024xf32>
    %bitcast_convert_type3A_300 = tpu.bitcast %reduce_min3A_293 : vector<1024xf32> -> vector<1024xi32>
    %and3A_301 = arith.constant 4095 : i32
    %and3A_302 = vector.broadcast %and3A_301 : i32 to vector<1024xi32>
    %and3A_303 = arith.andi %bitcast_convert_type3A_300, %and3A_302 : vector<1024xi32>
    %mul3A_304 = arith.constant 4096 : i32
    %mul3A_305 = arith.muli %arg0, %mul3A_304 : i32
    %add3A_306 = vector.broadcast %mul3A_305 : i32 to vector<1024xi32>
    %add3A_307 = arith.addi %and3A_303, %add3A_306 : vector<1024xi32>
    %eq3A_308 = arith.constant 8 : i32
    %eq3A_309 = vector.broadcast %eq3A_308 : i32 to vector<16x1024xi32>
    %eq3A_310 = arith.cmpi eq, %iota3A_107, %eq3A_309 : vector<16x1024xi32>
    %broadcast_in_dim3A_311 = vector.shape_cast %add3A_307 : vector<1024xi32> to vector<1x1024xi32>
    %broadcast_in_dim3A_312 = vector.shape_cast %broadcast_in_dim3A_311 : vector<1x1024xi32> to vector<1x1024xi32>
    %broadcast_in_dim3A_313 = vector.broadcast %broadcast_in_dim3A_312 : vector<1x1024xi32> to vector<16x1024xi32>
    %select_n3A_314 = arith.select %eq3A_310, %broadcast_in_dim3A_313, %select_n3A_291 : vector<16x1024xi1>, vector<16x1024xi32>
    %reduce_min3A_315 = arith.constant dense<0x7F800000> : vector<1024xf32>
    %reduce_min3A_316 = vector.multi_reduction <minimumf>, %select_n3A_299, %reduce_min3A_315 [0] : vector<256x1024xf32> to vector<1024xf32>
    %broadcast_in_dim3A_317 = vector.shape_cast %reduce_min3A_316 : vector<1024xf32> to vector<1x1024xf32>
    %eq3A_318 = vector.broadcast %broadcast_in_dim3A_317 : vector<1x1024xf32> to vector<256x1024xf32>
    %eq3A_319 = arith.cmpf oeq, %select_n3A_299, %eq3A_318 : vector<256x1024xf32>
    %jit3A_320 = arith.constant 0x7F800000 : f32
    %broadcast_in_dim3A_321 = vector.broadcast %jit3A_320 : f32 to vector<256x1024xf32>
    %select_n3A_322 = arith.select %eq3A_319, %broadcast_in_dim3A_321, %select_n3A_299 : vector<256x1024xi1>, vector<256x1024xf32>
    %bitcast_convert_type3A_323 = tpu.bitcast %reduce_min3A_316 : vector<1024xf32> -> vector<1024xi32>
    %and3A_324 = arith.constant 4095 : i32
    %and3A_325 = vector.broadcast %and3A_324 : i32 to vector<1024xi32>
    %and3A_326 = arith.andi %bitcast_convert_type3A_323, %and3A_325 : vector<1024xi32>
    %mul3A_327 = arith.constant 4096 : i32
    %mul3A_328 = arith.muli %arg0, %mul3A_327 : i32
    %add3A_329 = vector.broadcast %mul3A_328 : i32 to vector<1024xi32>
    %add3A_330 = arith.addi %and3A_326, %add3A_329 : vector<1024xi32>
    %eq3A_331 = arith.constant 9 : i32
    %eq3A_332 = vector.broadcast %eq3A_331 : i32 to vector<16x1024xi32>
    %eq3A_333 = arith.cmpi eq, %iota3A_107, %eq3A_332 : vector<16x1024xi32>
    %broadcast_in_dim3A_334 = vector.shape_cast %add3A_330 : vector<1024xi32> to vector<1x1024xi32>
    %broadcast_in_dim3A_335 = vector.shape_cast %broadcast_in_dim3A_334 : vector<1x1024xi32> to vector<1x1024xi32>
    %broadcast_in_dim3A_336 = vector.broadcast %broadcast_in_dim3A_335 : vector<1x1024xi32> to vector<16x1024xi32>
    %select_n3A_337 = arith.select %eq3A_333, %broadcast_in_dim3A_336, %select_n3A_314 : vector<16x1024xi1>, vector<16x1024xi32>
    %reduce_min3A_338 = arith.constant dense<0x7F800000> : vector<1024xf32>
    %reduce_min3A_339 = vector.multi_reduction <minimumf>, %select_n3A_322, %reduce_min3A_338 [0] : vector<256x1024xf32> to vector<1024xf32>
    %broadcast_in_dim3A_340 = vector.shape_cast %reduce_min3A_339 : vector<1024xf32> to vector<1x1024xf32>
    %eq3A_341 = vector.broadcast %broadcast_in_dim3A_340 : vector<1x1024xf32> to vector<256x1024xf32>
    %eq3A_342 = arith.cmpf oeq, %select_n3A_322, %eq3A_341 : vector<256x1024xf32>
    %jit3A_343 = arith.constant 0x7F800000 : f32
    %broadcast_in_dim3A_344 = vector.broadcast %jit3A_343 : f32 to vector<256x1024xf32>
    %select_n3A_345 = arith.select %eq3A_342, %broadcast_in_dim3A_344, %select_n3A_322 : vector<256x1024xi1>, vector<256x1024xf32>
    %bitcast_convert_type3A_346 = tpu.bitcast %reduce_min3A_339 : vector<1024xf32> -> vector<1024xi32>
    %and3A_347 = arith.constant 4095 : i32
    %and3A_348 = vector.broadcast %and3A_347 : i32 to vector<1024xi32>
    %and3A_349 = arith.andi %bitcast_convert_type3A_346, %and3A_348 : vector<1024xi32>
    %mul3A_350 = arith.constant 4096 : i32
    %mul3A_351 = arith.muli %arg0, %mul3A_350 : i32
    %add3A_352 = vector.broadcast %mul3A_351 : i32 to vector<1024xi32>
    %add3A_353 = arith.addi %and3A_349, %add3A_352 : vector<1024xi32>
    %eq3A_354 = arith.constant 10 : i32
    %eq3A_355 = vector.broadcast %eq3A_354 : i32 to vector<16x1024xi32>
    %eq3A_356 = arith.cmpi eq, %iota3A_107, %eq3A_355 : vector<16x1024xi32>
    %broadcast_in_dim3A_357 = vector.shape_cast %add3A_353 : vector<1024xi32> to vector<1x1024xi32>
    %broadcast_in_dim3A_358 = vector.shape_cast %broadcast_in_dim3A_357 : vector<1x1024xi32> to vector<1x1024xi32>
    %broadcast_in_dim3A_359 = vector.broadcast %broadcast_in_dim3A_358 : vector<1x1024xi32> to vector<16x1024xi32>
    %select_n3A_360 = arith.select %eq3A_356, %broadcast_in_dim3A_359, %select_n3A_337 : vector<16x1024xi1>, vector<16x1024xi32>
    %reduce_min3A_361 = arith.constant dense<0x7F800000> : vector<1024xf32>
    %reduce_min3A_362 = vector.multi_reduction <minimumf>, %select_n3A_345, %reduce_min3A_361 [0] : vector<256x1024xf32> to vector<1024xf32>
    %broadcast_in_dim3A_363 = vector.shape_cast %reduce_min3A_362 : vector<1024xf32> to vector<1x1024xf32>
    %eq3A_364 = vector.broadcast %broadcast_in_dim3A_363 : vector<1x1024xf32> to vector<256x1024xf32>
    %eq3A_365 = arith.cmpf oeq, %select_n3A_345, %eq3A_364 : vector<256x1024xf32>
    %jit3A_366 = arith.constant 0x7F800000 : f32
    %broadcast_in_dim3A_367 = vector.broadcast %jit3A_366 : f32 to vector<256x1024xf32>
    %select_n3A_368 = arith.select %eq3A_365, %broadcast_in_dim3A_367, %select_n3A_345 : vector<256x1024xi1>, vector<256x1024xf32>
    %bitcast_convert_type3A_369 = tpu.bitcast %reduce_min3A_362 : vector<1024xf32> -> vector<1024xi32>
    %and3A_370 = arith.constant 4095 : i32
    %and3A_371 = vector.broadcast %and3A_370 : i32 to vector<1024xi32>
    %and3A_372 = arith.andi %bitcast_convert_type3A_369, %and3A_371 : vector<1024xi32>
    %mul3A_373 = arith.constant 4096 : i32
    %mul3A_374 = arith.muli %arg0, %mul3A_373 : i32
    %add3A_375 = vector.broadcast %mul3A_374 : i32 to vector<1024xi32>
    %add3A_376 = arith.addi %and3A_372, %add3A_375 : vector<1024xi32>
    %eq3A_377 = arith.constant 11 : i32
    %eq3A_378 = vector.broadcast %eq3A_377 : i32 to vector<16x1024xi32>
    %eq3A_379 = arith.cmpi eq, %iota3A_107, %eq3A_378 : vector<16x1024xi32>
    %broadcast_in_dim3A_380 = vector.shape_cast %add3A_376 : vector<1024xi32> to vector<1x1024xi32>
    %broadcast_in_dim3A_381 = vector.shape_cast %broadcast_in_dim3A_380 : vector<1x1024xi32> to vector<1x1024xi32>
    %broadcast_in_dim3A_382 = vector.broadcast %broadcast_in_dim3A_381 : vector<1x1024xi32> to vector<16x1024xi32>
    %select_n3A_383 = arith.select %eq3A_379, %broadcast_in_dim3A_382, %select_n3A_360 : vector<16x1024xi1>, vector<16x1024xi32>
    %reduce_min3A_384 = arith.constant dense<0x7F800000> : vector<1024xf32>
    %reduce_min3A_385 = vector.multi_reduction <minimumf>, %select_n3A_368, %reduce_min3A_384 [0] : vector<256x1024xf32> to vector<1024xf32>
    %broadcast_in_dim3A_386 = vector.shape_cast %reduce_min3A_385 : vector<1024xf32> to vector<1x1024xf32>
    %eq3A_387 = vector.broadcast %broadcast_in_dim3A_386 : vector<1x1024xf32> to vector<256x1024xf32>
    %eq3A_388 = arith.cmpf oeq, %select_n3A_368, %eq3A_387 : vector<256x1024xf32>
    %jit3A_389 = arith.constant 0x7F800000 : f32
    %broadcast_in_dim3A_390 = vector.broadcast %jit3A_389 : f32 to vector<256x1024xf32>
    %select_n3A_391 = arith.select %eq3A_388, %broadcast_in_dim3A_390, %select_n3A_368 : vector<256x1024xi1>, vector<256x1024xf32>
    %bitcast_convert_type3A_392 = tpu.bitcast %reduce_min3A_385 : vector<1024xf32> -> vector<1024xi32>
    %and3A_393 = arith.constant 4095 : i32
    %and3A_394 = vector.broadcast %and3A_393 : i32 to vector<1024xi32>
    %and3A_395 = arith.andi %bitcast_convert_type3A_392, %and3A_394 : vector<1024xi32>
    %mul3A_396 = arith.constant 4096 : i32
    %mul3A_397 = arith.muli %arg0, %mul3A_396 : i32
    %add3A_398 = vector.broadcast %mul3A_397 : i32 to vector<1024xi32>
    %add3A_399 = arith.addi %and3A_395, %add3A_398 : vector<1024xi32>
    %eq3A_400 = arith.constant 12 : i32
    %eq3A_401 = vector.broadcast %eq3A_400 : i32 to vector<16x1024xi32>
    %eq3A_402 = arith.cmpi eq, %iota3A_107, %eq3A_401 : vector<16x1024xi32>
    %broadcast_in_dim3A_403 = vector.shape_cast %add3A_399 : vector<1024xi32> to vector<1x1024xi32>
    %broadcast_in_dim3A_404 = vector.shape_cast %broadcast_in_dim3A_403 : vector<1x1024xi32> to vector<1x1024xi32>
    %broadcast_in_dim3A_405 = vector.broadcast %broadcast_in_dim3A_404 : vector<1x1024xi32> to vector<16x1024xi32>
    %select_n3A_406 = arith.select %eq3A_402, %broadcast_in_dim3A_405, %select_n3A_383 : vector<16x1024xi1>, vector<16x1024xi32>
    %reduce_min3A_407 = arith.constant dense<0x7F800000> : vector<1024xf32>
    %reduce_min3A_408 = vector.multi_reduction <minimumf>, %select_n3A_391, %reduce_min3A_407 [0] : vector<256x1024xf32> to vector<1024xf32>
    %broadcast_in_dim3A_409 = vector.shape_cast %reduce_min3A_408 : vector<1024xf32> to vector<1x1024xf32>
    %eq3A_410 = vector.broadcast %broadcast_in_dim3A_409 : vector<1x1024xf32> to vector<256x1024xf32>
    %eq3A_411 = arith.cmpf oeq, %select_n3A_391, %eq3A_410 : vector<256x1024xf32>
    %jit3A_412 = arith.constant 0x7F800000 : f32
    %broadcast_in_dim3A_413 = vector.broadcast %jit3A_412 : f32 to vector<256x1024xf32>
    %select_n3A_414 = arith.select %eq3A_411, %broadcast_in_dim3A_413, %select_n3A_391 : vector<256x1024xi1>, vector<256x1024xf32>
    %bitcast_convert_type3A_415 = tpu.bitcast %reduce_min3A_408 : vector<1024xf32> -> vector<1024xi32>
    %and3A_416 = arith.constant 4095 : i32
    %and3A_417 = vector.broadcast %and3A_416 : i32 to vector<1024xi32>
    %and3A_418 = arith.andi %bitcast_convert_type3A_415, %and3A_417 : vector<1024xi32>
    %mul3A_419 = arith.constant 4096 : i32
    %mul3A_420 = arith.muli %arg0, %mul3A_419 : i32
    %add3A_421 = vector.broadcast %mul3A_420 : i32 to vector<1024xi32>
    %add3A_422 = arith.addi %and3A_418, %add3A_421 : vector<1024xi32>
    %eq3A_423 = arith.constant 13 : i32
    %eq3A_424 = vector.broadcast %eq3A_423 : i32 to vector<16x1024xi32>
    %eq3A_425 = arith.cmpi eq, %iota3A_107, %eq3A_424 : vector<16x1024xi32>
    %broadcast_in_dim3A_426 = vector.shape_cast %add3A_422 : vector<1024xi32> to vector<1x1024xi32>
    %broadcast_in_dim3A_427 = vector.shape_cast %broadcast_in_dim3A_426 : vector<1x1024xi32> to vector<1x1024xi32>
    %broadcast_in_dim3A_428 = vector.broadcast %broadcast_in_dim3A_427 : vector<1x1024xi32> to vector<16x1024xi32>
    %select_n3A_429 = arith.select %eq3A_425, %broadcast_in_dim3A_428, %select_n3A_406 : vector<16x1024xi1>, vector<16x1024xi32>
    %reduce_min3A_430 = arith.constant dense<0x7F800000> : vector<1024xf32>
    %reduce_min3A_431 = vector.multi_reduction <minimumf>, %select_n3A_414, %reduce_min3A_430 [0] : vector<256x1024xf32> to vector<1024xf32>
    %broadcast_in_dim3A_432 = vector.shape_cast %reduce_min3A_431 : vector<1024xf32> to vector<1x1024xf32>
    %eq3A_433 = vector.broadcast %broadcast_in_dim3A_432 : vector<1x1024xf32> to vector<256x1024xf32>
    %eq3A_434 = arith.cmpf oeq, %select_n3A_414, %eq3A_433 : vector<256x1024xf32>
    %jit3A_435 = arith.constant 0x7F800000 : f32
    %broadcast_in_dim3A_436 = vector.broadcast %jit3A_435 : f32 to vector<256x1024xf32>
    %select_n3A_437 = arith.select %eq3A_434, %broadcast_in_dim3A_436, %select_n3A_414 : vector<256x1024xi1>, vector<256x1024xf32>
    %bitcast_convert_type3A_438 = tpu.bitcast %reduce_min3A_431 : vector<1024xf32> -> vector<1024xi32>
    %and3A_439 = arith.constant 4095 : i32
    %and3A_440 = vector.broadcast %and3A_439 : i32 to vector<1024xi32>
    %and3A_441 = arith.andi %bitcast_convert_type3A_438, %and3A_440 : vector<1024xi32>
    %mul3A_442 = arith.constant 4096 : i32
    %mul3A_443 = arith.muli %arg0, %mul3A_442 : i32
    %add3A_444 = vector.broadcast %mul3A_443 : i32 to vector<1024xi32>
    %add3A_445 = arith.addi %and3A_441, %add3A_444 : vector<1024xi32>
    %eq3A_446 = arith.constant 14 : i32
    %eq3A_447 = vector.broadcast %eq3A_446 : i32 to vector<16x1024xi32>
    %eq3A_448 = arith.cmpi eq, %iota3A_107, %eq3A_447 : vector<16x1024xi32>
    %broadcast_in_dim3A_449 = vector.shape_cast %add3A_445 : vector<1024xi32> to vector<1x1024xi32>
    %broadcast_in_dim3A_450 = vector.shape_cast %broadcast_in_dim3A_449 : vector<1x1024xi32> to vector<1x1024xi32>
    %broadcast_in_dim3A_451 = vector.broadcast %broadcast_in_dim3A_450 : vector<1x1024xi32> to vector<16x1024xi32>
    %select_n3A_452 = arith.select %eq3A_448, %broadcast_in_dim3A_451, %select_n3A_429 : vector<16x1024xi1>, vector<16x1024xi32>
    %reduce_min3A_453 = arith.constant dense<0x7F800000> : vector<1024xf32>
    %reduce_min3A_454 = vector.multi_reduction <minimumf>, %select_n3A_437, %reduce_min3A_453 [0] : vector<256x1024xf32> to vector<1024xf32>
    %bitcast_convert_type3A_455 = tpu.bitcast %reduce_min3A_454 : vector<1024xf32> -> vector<1024xi32>
    %and3A_456 = arith.constant 4095 : i32
    %and3A_457 = vector.broadcast %and3A_456 : i32 to vector<1024xi32>
    %and3A_458 = arith.andi %bitcast_convert_type3A_455, %and3A_457 : vector<1024xi32>
    %mul3A_459 = arith.constant 4096 : i32
    %mul3A_460 = arith.muli %arg0, %mul3A_459 : i32
    %add3A_461 = vector.broadcast %mul3A_460 : i32 to vector<1024xi32>
    %add3A_462 = arith.addi %and3A_458, %add3A_461 : vector<1024xi32>
    %eq3A_463 = arith.constant 15 : i32
    %eq3A_464 = vector.broadcast %eq3A_463 : i32 to vector<16x1024xi32>
    %eq3A_465 = arith.cmpi eq, %iota3A_107, %eq3A_464 : vector<16x1024xi32>
    %broadcast_in_dim3A_466 = vector.shape_cast %add3A_462 : vector<1024xi32> to vector<1x1024xi32>
    %broadcast_in_dim3A_467 = vector.shape_cast %broadcast_in_dim3A_466 : vector<1x1024xi32> to vector<1x1024xi32>
    %broadcast_in_dim3A_468 = vector.broadcast %broadcast_in_dim3A_467 : vector<1x1024xi32> to vector<16x1024xi32>
    %select_n3A_469 = arith.select %eq3A_465, %broadcast_in_dim3A_468, %select_n3A_452 : vector<16x1024xi1>, vector<16x1024xi32>
    %swap3A = arith.constant 0 : index
    %swap3A_470 = arith.constant 0 : index
    %swap3A_471 = arith.constant 0 : index
    %swap3A_472 = vector.load %arg4[%swap3A, %swap3A_470, %swap3A_471] : memref<1x16x1024xi32, #tpu.memory_space<vmem>>, vector<1x16x1024xi32>
    %swap3A_473 = vector.shape_cast %swap3A_472 : vector<1x16x1024xi32> to vector<16x1024xi32>
    %swap3A_474 = vector.shape_cast %select_n3A_469 : vector<16x1024xi32> to vector<1x16x1024xi32>
    tpu.vector_store %arg4[%swap3A, %swap3A_470, %swap3A_471], %swap3A_474 {strides = array<i32>} : memref<1x16x1024xi32, #tpu.memory_space<vmem>>, vector<1x16x1024xi32>,
    return
  }
  func.func @transform_0(%arg0: i32, %arg1: i32) -> (i32, i32, i32) {
    %c0_i32 = arith.constant 0 : i32
    %c0_i32_0 = arith.constant 0 : i32
    %c0_i32_1 = arith.constant 0 : i32
    return %arg0, %c0_i32, %c0_i32_0 : i32, i32, i32
  }
  func.func @transform_1(%arg0: i32, %arg1: i32) -> (i32, i32, i32) {
    %c0_i32 = arith.constant 0 : i32
    %c0_i32_0 = arith.constant 0 : i32
    return %arg0, %c0_i32, %arg1 : i32, i32, i32
  }
  func.func @transform_2(%arg0: i32, %arg1: i32) -> (i32, i32, i32) {
    %c0_i32 = arith.constant 0 : i32
    %c0_i32_0 = arith.constant 0 : i32
    return %arg0, %c0_i32, %arg1 : i32, i32, i32
  }
}

module attributes {stable_mosaic.version = 14 : i64} {
  func.func @_mlp_body(%arg0: i32, %arg1: memref<16x1024x8xf32, #tpu.memory_space<vmem>>, %arg2: memref<1024x8xf32, #tpu.memory_space<vmem>>, %arg3: memref<8x256xf32, #tpu.memory_space<vmem>>, %arg4: memref<8x256xf32, #tpu.memory_space<vmem>>, %arg5: memref<1x256xf32, #tpu.memory_space<vmem>>, %arg6: memref<256x256xf32, #tpu.memory_space<vmem>>, %arg7: memref<1x256xf32, #tpu.memory_space<vmem>>, %arg8: memref<8x256xf32, #tpu.memory_space<vmem>>, %arg9: memref<256x256xf32, #tpu.memory_space<vmem>>, %arg10: memref<1x256xf32, #tpu.memory_space<vmem>>, %arg11: memref<256x256xf32, #tpu.memory_space<vmem>>, %arg12: memref<1x256xf32, #tpu.memory_space<vmem>>, %arg13: memref<256x256xf32, #tpu.memory_space<vmem>>, %arg14: memref<1x256xf32, #tpu.memory_space<vmem>>, %arg15: memref<1024x256xf32, #tpu.memory_space<vmem>>) attributes {dimension_semantics = [#tpu.dimension_semantics<parallel>], iteration_bounds = array<i64: 8>, scalar_prefetch = 0 : i64, scratch_operands = 0 : i64, tpu.core_type = #tpu.core_type<tc>, window_params = [{transform_indices = @transform_0, window_bounds = array<i64: 16, 1024, 8>}, {transform_indices = @transform_1, window_bounds = array<i64: 1024, 8>}, {pipeline_mode = #tpu.pipeline_mode<synchronous>, transform_indices = @transform_2, window_bounds = array<i64: 8, 256>}, {pipeline_mode = #tpu.pipeline_mode<synchronous>, transform_indices = @transform_3, window_bounds = array<i64: 8, 256>}, {pipeline_mode = #tpu.pipeline_mode<synchronous>, transform_indices = @transform_4, window_bounds = array<i64: 1, 256>}, {pipeline_mode = #tpu.pipeline_mode<synchronous>, transform_indices = @transform_5, window_bounds = array<i64: 256, 256>}, {pipeline_mode = #tpu.pipeline_mode<synchronous>, transform_indices = @transform_6, window_bounds = array<i64: 1, 256>}, {pipeline_mode = #tpu.pipeline_mode<synchronous>, transform_indices = @transform_7, window_bounds = array<i64: 8, 256>}, {pipeline_mode = #tpu.pipeline_mode<synchronous>, transform_indices = @transform_8, window_bounds = array<i64: 256, 256>}, {pipeline_mode = #tpu.pipeline_mode<synchronous>, transform_indices = @transform_9, window_bounds = array<i64: 1, 256>}, {pipeline_mode = #tpu.pipeline_mode<synchronous>, transform_indices = @transform_10, window_bounds = array<i64: 256, 256>}, {pipeline_mode = #tpu.pipeline_mode<synchronous>, transform_indices = @transform_11, window_bounds = array<i64: 1, 256>}, {pipeline_mode = #tpu.pipeline_mode<synchronous>, transform_indices = @transform_12, window_bounds = array<i64: 256, 256>}, {pipeline_mode = #tpu.pipeline_mode<synchronous>, transform_indices = @transform_13, window_bounds = array<i64: 1, 256>}, {transform_indices = @transform_14, window_bounds = array<i64: 1024, 256>}]} {
    %get3A = arith.constant 0 : index
    %get3A_0 = arith.constant 0 : index
    %get3A_1 = arith.constant 0 : index
    %get3A_2 = vector.load %arg1[%get3A, %get3A_0, %get3A_1] : memref<16x1024x8xf32, #tpu.memory_space<vmem>>, vector<16x1024x8xf32>
    %reshape3A = vector.shape_cast %get3A_2 : vector<16x1024x8xf32> to vector<16384x8xf32>
    %get3A_3 = arith.constant 0 : index
    %get3A_4 = arith.constant 0 : index
    %get3A_5 = vector.load %arg2[%get3A_3, %get3A_4] : memref<1024x8xf32, #tpu.memory_space<vmem>>, vector<1024x8xf32>
    %get3A_6 = arith.constant 0 : index
    %get3A_7 = arith.constant 0 : index
    %get3A_8 = vector.load %arg4[%get3A_6, %get3A_7] : memref<8x256xf32, #tpu.memory_space<vmem>>, vector<8x256xf32>
    %dot_general3A = arith.constant dense<0.000000e+00> : vector<1024x256xf32>
    %dot_general3A_9 = tpu.matmul %get3A_5, %get3A_8, %dot_general3A {dimension_numbers = #tpu.dot_dimension_numbers<[1], [0], [0], [1], [0, 0, 1, 1], [], []>, transpose_lhs_hint = false} : vector<1024x8xf32>, vector<8x256xf32>, vector<1024x256xf32> -> vector<1024x256xf32>
    %get3A_10 = arith.constant 0 : index
    %get3A_11 = arith.constant 0 : index
    %get3A_12 = vector.load %arg5[%get3A_10, %get3A_11] : memref<1x256xf32, #tpu.memory_space<vmem>>, vector<1x256xf32>
    %add3A = vector.broadcast %get3A_12 : vector<1x256xf32> to vector<1024x256xf32>
    %add3A_13 = arith.addf %dot_general3A_9, %add3A : vector<1024x256xf32>
    %broadcast_in_dim3A = vector.shape_cast %add3A_13 : vector<1024x256xf32> to vector<1x1024x256xf32>
    %broadcast_in_dim3A_14 = vector.shape_cast %broadcast_in_dim3A : vector<1x1024x256xf32> to vector<1x1024x256xf32>
    %broadcast_in_dim3A_15 = vector.broadcast %broadcast_in_dim3A_14 : vector<1x1024x256xf32> to vector<16x1024x256xf32>
    %reshape3A_16 = vector.shape_cast %broadcast_in_dim3A_15 : vector<16x1024x256xf32> to vector<16384x256xf32>
    %get3A_17 = arith.constant 0 : index
    %get3A_18 = arith.constant 0 : index
    %get3A_19 = vector.load %arg3[%get3A_17, %get3A_18] : memref<8x256xf32, #tpu.memory_space<vmem>>, vector<8x256xf32>
    %dot_general3A_20 = arith.constant dense<0.000000e+00> : vector<16384x256xf32>
    %dot_general3A_21 = tpu.matmul %reshape3A, %get3A_19, %dot_general3A_20 {dimension_numbers = #tpu.dot_dimension_numbers<[1], [0], [0], [1], [0, 0, 1, 1], [], []>, transpose_lhs_hint = false} : vector<16384x8xf32>, vector<8x256xf32>, vector<16384x256xf32> -> vector<16384x256xf32>
    %add3A_22 = arith.addf %dot_general3A_21, %reshape3A_16 : vector<16384x256xf32>
    %max3A = arith.constant 0.000000e+00 : f32
    %max3A_23 = vector.broadcast %max3A : f32 to vector<16384x256xf32>
    %max3A_24 = arith.maximumf %add3A_22, %max3A_23 : vector<16384x256xf32>
    %get3A_25 = arith.constant 0 : index
    %get3A_26 = arith.constant 0 : index
    %get3A_27 = vector.load %arg6[%get3A_25, %get3A_26] : memref<256x256xf32, #tpu.memory_space<vmem>>, vector<256x256xf32>
    %dot_general3A_28 = arith.constant dense<0.000000e+00> : vector<16384x256xf32>
    %dot_general3A_29 = tpu.matmul %max3A_24, %get3A_27, %dot_general3A_28 {dimension_numbers = #tpu.dot_dimension_numbers<[1], [0], [0], [1], [0, 0, 1, 1], [], []>, transpose_lhs_hint = false} : vector<16384x256xf32>, vector<256x256xf32>, vector<16384x256xf32> -> vector<16384x256xf32>
    %get3A_30 = arith.constant 0 : index
    %get3A_31 = arith.constant 0 : index
    %get3A_32 = vector.load %arg7[%get3A_30, %get3A_31] : memref<1x256xf32, #tpu.memory_space<vmem>>, vector<1x256xf32>
    %add3A_33 = vector.broadcast %get3A_32 : vector<1x256xf32> to vector<16384x256xf32>
    %add3A_34 = arith.addf %dot_general3A_29, %add3A_33 : vector<16384x256xf32>
    %max3A_35 = arith.constant 0.000000e+00 : f32
    %max3A_36 = vector.broadcast %max3A_35 : f32 to vector<16384x256xf32>
    %max3A_37 = arith.maximumf %add3A_34, %max3A_36 : vector<16384x256xf32>
    %reshape3A_38 = vector.shape_cast %max3A_37 : vector<16384x256xf32> to vector<16x1024x256xf32>
    %reduce_sum3A = arith.constant dense<0.000000e+00> : vector<1024x256xf32>
    %reduce_sum3A_39 = vector.multi_reduction <add>, %reshape3A_38, %reduce_sum3A [0] : vector<16x1024x256xf32> to vector<1024x256xf32>
    %mul3A = arith.constant 6.250000e-02 : f32
    %mul3A_40 = vector.broadcast %mul3A : f32 to vector<1024x256xf32>
    %mul3A_41 = arith.mulf %reduce_sum3A_39, %mul3A_40 : vector<1024x256xf32>
    %get3A_42 = arith.constant 0 : index
    %get3A_43 = arith.constant 0 : index
    %get3A_44 = vector.load %arg8[%get3A_42, %get3A_43] : memref<8x256xf32, #tpu.memory_space<vmem>>, vector<8x256xf32>
    %dot_general3A_45 = arith.constant dense<0.000000e+00> : vector<1024x256xf32>
    %dot_general3A_46 = tpu.matmul %get3A_5, %get3A_44, %dot_general3A_45 {dimension_numbers = #tpu.dot_dimension_numbers<[1], [0], [0], [1], [0, 0, 1, 1], [], []>, transpose_lhs_hint = false} : vector<1024x8xf32>, vector<8x256xf32>, vector<1024x256xf32> -> vector<1024x256xf32>
    %get3A_47 = arith.constant 0 : index
    %get3A_48 = arith.constant 0 : index
    %get3A_49 = vector.load %arg9[%get3A_47, %get3A_48] : memref<256x256xf32, #tpu.memory_space<vmem>>, vector<256x256xf32>
    %dot_general3A_50 = arith.constant dense<0.000000e+00> : vector<1024x256xf32>
    %dot_general3A_51 = tpu.matmul %mul3A_41, %get3A_49, %dot_general3A_50 {dimension_numbers = #tpu.dot_dimension_numbers<[1], [0], [0], [1], [0, 0, 1, 1], [], []>, transpose_lhs_hint = false} : vector<1024x256xf32>, vector<256x256xf32>, vector<1024x256xf32> -> vector<1024x256xf32>
    %add3A_52 = arith.addf %dot_general3A_46, %dot_general3A_51 : vector<1024x256xf32>
    %get3A_53 = arith.constant 0 : index
    %get3A_54 = arith.constant 0 : index
    %get3A_55 = vector.load %arg10[%get3A_53, %get3A_54] : memref<1x256xf32, #tpu.memory_space<vmem>>, vector<1x256xf32>
    %add3A_56 = vector.broadcast %get3A_55 : vector<1x256xf32> to vector<1024x256xf32>
    %add3A_57 = arith.addf %add3A_52, %add3A_56 : vector<1024x256xf32>
    %max3A_58 = arith.constant 0.000000e+00 : f32
    %max3A_59 = vector.broadcast %max3A_58 : f32 to vector<1024x256xf32>
    %max3A_60 = arith.maximumf %add3A_57, %max3A_59 : vector<1024x256xf32>
    %get3A_61 = arith.constant 0 : index
    %get3A_62 = arith.constant 0 : index
    %get3A_63 = vector.load %arg11[%get3A_61, %get3A_62] : memref<256x256xf32, #tpu.memory_space<vmem>>, vector<256x256xf32>
    %dot_general3A_64 = arith.constant dense<0.000000e+00> : vector<1024x256xf32>
    %dot_general3A_65 = tpu.matmul %max3A_60, %get3A_63, %dot_general3A_64 {dimension_numbers = #tpu.dot_dimension_numbers<[1], [0], [0], [1], [0, 0, 1, 1], [], []>, transpose_lhs_hint = false} : vector<1024x256xf32>, vector<256x256xf32>, vector<1024x256xf32> -> vector<1024x256xf32>
    %get3A_66 = arith.constant 0 : index
    %get3A_67 = arith.constant 0 : index
    %get3A_68 = vector.load %arg12[%get3A_66, %get3A_67] : memref<1x256xf32, #tpu.memory_space<vmem>>, vector<1x256xf32>
    %add3A_69 = vector.broadcast %get3A_68 : vector<1x256xf32> to vector<1024x256xf32>
    %add3A_70 = arith.addf %dot_general3A_65, %add3A_69 : vector<1024x256xf32>
    %max3A_71 = arith.constant 0.000000e+00 : f32
    %max3A_72 = vector.broadcast %max3A_71 : f32 to vector<1024x256xf32>
    %max3A_73 = arith.maximumf %add3A_70, %max3A_72 : vector<1024x256xf32>
    %get3A_74 = arith.constant 0 : index
    %get3A_75 = arith.constant 0 : index
    %get3A_76 = vector.load %arg13[%get3A_74, %get3A_75] : memref<256x256xf32, #tpu.memory_space<vmem>>, vector<256x256xf32>
    %dot_general3A_77 = arith.constant dense<0.000000e+00> : vector<1024x256xf32>
    %dot_general3A_78 = tpu.matmul %max3A_73, %get3A_76, %dot_general3A_77 {dimension_numbers = #tpu.dot_dimension_numbers<[1], [0], [0], [1], [0, 0, 1, 1], [], []>, transpose_lhs_hint = false} : vector<1024x256xf32>, vector<256x256xf32>, vector<1024x256xf32> -> vector<1024x256xf32>
    %get3A_79 = arith.constant 0 : index
    %get3A_80 = arith.constant 0 : index
    %get3A_81 = vector.load %arg14[%get3A_79, %get3A_80] : memref<1x256xf32, #tpu.memory_space<vmem>>, vector<1x256xf32>
    %add3A_82 = vector.broadcast %get3A_81 : vector<1x256xf32> to vector<1024x256xf32>
    %add3A_83 = arith.addf %dot_general3A_78, %add3A_82 : vector<1024x256xf32>
    %max3A_84 = arith.constant 0.000000e+00 : f32
    %max3A_85 = vector.broadcast %max3A_84 : f32 to vector<1024x256xf32>
    %max3A_86 = arith.maximumf %add3A_83, %max3A_85 : vector<1024x256xf32>
    %swap3A = arith.constant 0 : index
    %swap3A_87 = arith.constant 0 : index
    %swap3A_88 = vector.load %arg15[%swap3A, %swap3A_87] : memref<1024x256xf32, #tpu.memory_space<vmem>>, vector<1024x256xf32>
    tpu.vector_store %arg15[%swap3A, %swap3A_87], %max3A_86 {strides = array<i32>} : memref<1024x256xf32, #tpu.memory_space<vmem>>, vector<1024x256xf32>,
    return
  }
  func.func @transform_0(%arg0: i32) -> (i32, i32, i32) {
    %c0_i32 = arith.constant 0 : i32
    %c0_i32_0 = arith.constant 0 : i32
    %c0_i32_1 = arith.constant 0 : i32
    return %c0_i32, %arg0, %c0_i32_0 : i32, i32, i32
  }
  func.func @transform_1(%arg0: i32) -> (i32, i32) {
    %c0_i32 = arith.constant 0 : i32
    %c0_i32_0 = arith.constant 0 : i32
    return %arg0, %c0_i32 : i32, i32
  }
  func.func @transform_2(%arg0: i32) -> (i32, i32) {
    %c0_i32 = arith.constant 0 : i32
    %c0_i32_0 = arith.constant 0 : i32
    %c0_i32_1 = arith.constant 0 : i32
    return %c0_i32, %c0_i32_0 : i32, i32
  }
  func.func @transform_3(%arg0: i32) -> (i32, i32) {
    %c0_i32 = arith.constant 0 : i32
    %c0_i32_0 = arith.constant 0 : i32
    %c0_i32_1 = arith.constant 0 : i32
    return %c0_i32, %c0_i32_0 : i32, i32
  }
  func.func @transform_4(%arg0: i32) -> (i32, i32) {
    %c0_i32 = arith.constant 0 : i32
    %c0_i32_0 = arith.constant 0 : i32
    %c0_i32_1 = arith.constant 0 : i32
    return %c0_i32, %c0_i32_0 : i32, i32
  }
  func.func @transform_5(%arg0: i32) -> (i32, i32) {
    %c0_i32 = arith.constant 0 : i32
    %c0_i32_0 = arith.constant 0 : i32
    %c0_i32_1 = arith.constant 0 : i32
    return %c0_i32, %c0_i32_0 : i32, i32
  }
  func.func @transform_6(%arg0: i32) -> (i32, i32) {
    %c0_i32 = arith.constant 0 : i32
    %c0_i32_0 = arith.constant 0 : i32
    %c0_i32_1 = arith.constant 0 : i32
    return %c0_i32, %c0_i32_0 : i32, i32
  }
  func.func @transform_7(%arg0: i32) -> (i32, i32) {
    %c0_i32 = arith.constant 0 : i32
    %c0_i32_0 = arith.constant 0 : i32
    %c0_i32_1 = arith.constant 0 : i32
    return %c0_i32, %c0_i32_0 : i32, i32
  }
  func.func @transform_8(%arg0: i32) -> (i32, i32) {
    %c0_i32 = arith.constant 0 : i32
    %c0_i32_0 = arith.constant 0 : i32
    %c0_i32_1 = arith.constant 0 : i32
    return %c0_i32, %c0_i32_0 : i32, i32
  }
  func.func @transform_9(%arg0: i32) -> (i32, i32) {
    %c0_i32 = arith.constant 0 : i32
    %c0_i32_0 = arith.constant 0 : i32
    %c0_i32_1 = arith.constant 0 : i32
    return %c0_i32, %c0_i32_0 : i32, i32
  }
  func.func @transform_10(%arg0: i32) -> (i32, i32) {
    %c0_i32 = arith.constant 0 : i32
    %c0_i32_0 = arith.constant 0 : i32
    %c0_i32_1 = arith.constant 0 : i32
    return %c0_i32, %c0_i32_0 : i32, i32
  }
  func.func @transform_11(%arg0: i32) -> (i32, i32) {
    %c0_i32 = arith.constant 0 : i32
    %c0_i32_0 = arith.constant 0 : i32
    %c0_i32_1 = arith.constant 0 : i32
    return %c0_i32, %c0_i32_0 : i32, i32
  }
  func.func @transform_12(%arg0: i32) -> (i32, i32) {
    %c0_i32 = arith.constant 0 : i32
    %c0_i32_0 = arith.constant 0 : i32
    %c0_i32_1 = arith.constant 0 : i32
    return %c0_i32, %c0_i32_0 : i32, i32
  }
  func.func @transform_13(%arg0: i32) -> (i32, i32) {
    %c0_i32 = arith.constant 0 : i32
    %c0_i32_0 = arith.constant 0 : i32
    %c0_i32_1 = arith.constant 0 : i32
    return %c0_i32, %c0_i32_0 : i32, i32
  }
  func.func @transform_14(%arg0: i32) -> (i32, i32) {
    %c0_i32 = arith.constant 0 : i32
    %c0_i32_0 = arith.constant 0 : i32
    return %arg0, %c0_i32 : i32, i32
  }
}

</mosaic_0001>

<sc_bundles>
// kernel: kernel.5.cloned.1.call-start
scs
__scs_entry_jumppad:
0x0: {  	(pc) =	sbr.rel $0x88, $3  }
0x1: {  	(tag) =	ssettag $0x0;
	lr =	simm.s32 $0x1  }
0x2: {  	[smem:$0x3F96] =	sst lr;
	_ =	strace $0xD0000000  }
0x3: {  	_ = 	snop  }
0x4: {  	_ = 	snop  }
0x5: {  	_ = 	snop  }
0x6: {  	_ = 	snop  }
0x7: {  	_ = 	snop  }
__scs_overlays_trampoline_lowered:
0x8: {  	[smem:$0x3FA5] =	sst s0  }
0x9: {  	[smem:$0x3FA6] =	sst s1  }
0xa: {  	[smem:$0x3FA7] =	sst s2  }
0xb: {  	[smem:$0x3FA8] =	sst s3  }
0xc: {  	[smem:$0x3FA9] =	sst s4  }
0xd: {  	[smem:$0x3FAA] =	sst s5  }
0xe: {  	[smem:$0x3FAB] =	sst s6  }
0xf: {  	[smem:$0x3FAC] =	sst s7  }
0x10: {  	[smem:$0x3FAD] =	sst s8  }
0x11: {  	[smem:$0x3FAE] =	sst s9;
	s0 =	simm.s32 @!p0 $0x0  }
0x12: {  	s1 =	sld [smem:$0x3F94];
	s0 =	simm.s32 @p0 $0x1  }
0x13: {  	[smem:$0x3FAF] =	sst s0;
	s0 =	simm.s32 @!p1 $0x0  }
0x14: {  	s2 =	sld [smem:$0x3F93];
	s0 =	simm.s32 @p1 $0x1  }
0x15: {  	[smem:$0x3FB0] =	sst s0;
	s0 =	simm.s32 @!p2 $0x0  }
0x16: {  	s3 =	sld [smem:$0x3FDB];
	s0 =	simm.s32 @p2 $0x1  }
0x17: {  	s4 =	simm.s32 $0x1BF5;
	[smem:$0x3FB2] =	sst s0  }
0x18: {  	s0 =	sld [smem:$0x3F95];
	_ =	swait.ge [sflag:s4], $0x0  }
0x19: {  	s7 =	sld [smem:$0x3F96]  }
0x1a: {  	s8 =	sadd.s32 $0xFFFFE003, lr  }
0x1b: {  	s9 =	sadd.s32 $0xFFFFFEF7, lr;
	s5 =	simm.s32 $0xFFFFFFFF;
	p2 =	slt.u32 s8, $0xFFFFF086  }
0x1c: {  	p1 =	slt.u32 s9, $0xF7A;
	s5 =	simm.s32 @!p2 $0x0  }
0x1d: {  	s5 =	simm.s32 @p1 $0x1;
	p0 =	seq.s32 s7, s2  }
0x1e: {  	s7 =	smul.u32 @!p0 $0xF7A, s2;
	p2 =	seq.s32 @!p0 s5, $0x0  }
0x1f: {  	s9 =	smul.u32 $0xF7A, s1;
	s8 =	simm.s32 @!p0 $0x1BF5;
	p2 =	por !p2, p0  }
0x20: {  	[sflag:s8] =	ssyncset.s32 @!p0 $0xFFFFF086;
	s6 =	sadd.s32 @!p0 s3, s7;
	s7 =	simm.s32 @!p0 $0x108  }
0x21: {  	s3 =	sadd.s32 s3, s9;
	s6 =	sadd.s32 @!p0 $0x88, s6;
	s7 =	simm.s32 @p2 $0x1082  }
0x22: {  	[simem:s7], [sflag:s8] =	dma.local @!p0 [hbm:s6], $0xF7A  }
0x23: {  	s9 =	sor.u32 $0xD0000000, s2;
	s6 =	simm.s32 $0x108;
	_ =	swait.ge @!p0 [sflag:s8], $0x0  }
0x24: {  	s3 =	sadd.s32 $0x88, s3;
	s6 =	simm.s32 @!p1 $0x1082;
	[sflag:s4] =	ssyncset.s32 $0xFFFFF086  }
0x25: {  	[simem:s6], [sflag:s4] =	dma.local [hbm:s3], $0xF7A  }
0x26: {  	[smem:$0x3F96] =	sst s1;
	(tag) =	ssettag s2;
	_ =	strace s9  }
0x27: {  	s1 =	sld [smem:$0x3FA6]  }
0x28: {  	s2 =	sld [smem:$0x3FA7]  }
0x29: {  	s4 =	sld [smem:$0x3FA9]  }
0x2a: {  	p0 =	seq.s32 s5, $0x0;
	s5 =	sld [smem:$0x3FAA]  }
0x2b: {  	s6 =	sld [smem:$0x3FAB]  }
0x2c: {  	s7 =	sld [smem:$0x3FAC]  }
0x2d: {  	s3 =	simm.s32 $0x108;
	s8 =	sld [smem:$0x3FAD]  }
0x2e: {  	s3 =	simm.s32 @!p0 $0x1082;
	s9 =	sld [smem:$0x3FAE]  }
0x2f: {  	lr =	sadd.s32 s0, s3;
	s0 =	sld [smem:$0x3FA5]  }
0x30: {  	s3 =	sld [smem:$0x3FA8]  }
0x31: {  	[smem:$0x3FB1] =	sst s10  }
0x32: {  	s10 =	sld [smem:$0x3FAF];
	_ =	sdelay $0x3  }
0x33: {  	p0 =	seq.s32 s10, $0x1;
	s10 =	sld [smem:$0x3FB1];
	_ =	sdelay $0x3  }
0x34: {  	[smem:$0x3FB1] =	sst s10  }
0x35: {  	s10 =	sld [smem:$0x3FB0];
	_ =	sdelay $0x3  }
0x36: {  	p1 =	seq.s32 s10, $0x1;
	s10 =	sld [smem:$0x3FB1];
	_ =	sdelay $0x3  }
0x37: {  	[smem:$0x3FB1] =	sst s10  }
0x38: {  	s10 =	sld [smem:$0x3FB2]  }
0x39: {  	_ = 	snop;
	(pc) =	sbr.ind lr, $3  }
0x3a: {  	_ = 	snop  }
0x3b: {  	_ = 	snop  }
0x3c: {  	p2 =	seq.s32 s10, $0x1;
	s10 =	sld [smem:$0x3FB1]  }
0x3d: {  	_ =	shalt  }
0x3e: {  	_ =	shalt  }
0x3f: {  	_ =	shalt  }
0x40: {  	_ =	shalt  }
0x41: {  	_ =	shalt  }
0x42: {  	_ =	shalt  }
0x43: {  	_ =	shalt  }
0x44: {  	_ =	shalt  }
0x45: {  	_ =	shalt  }
0x46: {  	_ =	shalt  }
0x47: {  	_ =	shalt  }
0x48: {  	_ =	shalt  }
0x49: {  	_ =	shalt  }
0x4a: {  	_ =	shalt  }
0x4b: {  	_ =	shalt  }
0x4c: {  	_ =	shalt  }
0x4d: {  	_ =	shalt  }
0x4e: {  	_ =	shalt  }
0x4f: {  	_ =	shalt  }
0x50: {  	_ =	shalt  }
0x51: {  	_ =	shalt  }
0x52: {  	_ =	shalt  }
0x53: {  	_ =	shalt  }
0x54: {  	_ =	shalt  }
0x55: {  	_ =	shalt  }
0x56: {  	_ =	shalt  }
0x57: {  	_ =	shalt  }
0x58: {  	_ =	shalt  }
0x59: {  	_ =	shalt  }
0x5a: {  	_ =	shalt  }
0x5b: {  	_ =	shalt  }
0x5c: {  	_ =	shalt  }
0x5d: {  	_ =	shalt  }
0x5e: {  	_ =	shalt  }
0x5f: {  	_ =	shalt  }
0x60: {  	_ =	shalt  }
0x61: {  	_ =	shalt  }
0x62: {  	_ =	shalt  }
0x63: {  	_ =	shalt  }
0x64: {  	_ =	shalt  }
0x65: {  	_ =	shalt  }
0x66: {  	_ =	shalt  }
0x67: {  	_ =	shalt  }
0x68: {  	_ =	shalt  }
0x69: {  	_ =	shalt  }
0x6a: {  	_ =	shalt  }
0x6b: {  	_ =	shalt  }
0x6c: {  	_ =	shalt  }
0x6d: {  	_ =	shalt  }
0x6e: {  	_ =	shalt  }
0x6f: {  	_ =	shalt  }
0x70: {  	_ =	shalt  }
0x71: {  	_ =	shalt  }
0x72: {  	_ =	shalt  }
0x73: {  	_ =	shalt  }
0x74: {  	_ =	shalt  }
0x75: {  	_ =	shalt  }
0x76: {  	_ =	shalt  }
0x77: {  	_ =	shalt  }
0x78: {  	_ =	shalt  }
0x79: {  	_ =	shalt  }
0x7a: {  	_ =	shalt  }
0x7b: {  	_ =	shalt  }
0x7c: {  	_ =	shalt  }
0x7d: {  	_ =	shalt  }
0x7e: {  	_ =	shalt  }
0x7f: {  	_ =	shalt  }
0x80: {  	_ =	shalt  }
0x81: {  	_ =	shalt  }
0x82: {  	_ =	shalt  }
0x83: {  	_ =	shalt  }
0x84: {  	_ =	shalt  }
0x85: {  	_ =	shalt  }
0x86: {  	_ =	shalt  }
0x87: {  	_ =	shalt  }
.Lfunc_end0:
.L_simem_size_0:
called_computation_lowered:
.L_overlay_start_0:
0x88: {  	s2 =	sld [smem:$0x3FD9]  }
0x89: {  	s3 =	sld [smem:$0x3FFE];
	_ =	sdelay $0x1  }
0x8a: {  	s1 =	srdreg.scid  }
0x8b: {  	s0 =	sand.u32 $0x1, s1  }
0x8c: {  	s17 =	sshll.u32 s0, $0xA;
	s2 =	sadd.s32 s3, s2  }
0x8d: {  	s2 =	sadd.s32 s2, s17  }
0x8e: {  	[smem:$0x3FBD] =	sst s2  }
0x8f: {  	_ = 	snop  }
0x90: {  	s2 =	sld [smem:$0x3FD0];
	(tm) =	ssettm $0x1  }
0x91: {  	s18 =	sld [smem:$0x3FFB];
	_ =	sdelay $0x3  }
0x92: {  	_ =	strace s18  }
0x93: {  	s3 =	sld [smem:$0x3FFC];
	_ =	sdelay $0x3  }
0x94: {  	_ =	strace s3  }
0x95: {  	s3 =	sld [smem:$0x3FFD];
	_ =	sdelay $0x3  }
0x96: {  	_ =	strace s3  }
0x97: {  	_ =	strace $0x8FFFFFFF  }
0x98: {  	s19 =	sld [smem:$0x3FDB];
	_ =	sdelay $0x1  }
0x99: {  	s4 =	simm.s32 $_scs_section_size  }
0x9a: {  	s5 =	simm.s32 $_size__tile_overlayer_lowered;
	s6 =	simm.s32 $_tile_overlayer_lowered  }
0x9b: {  	s22 =	simm.s32 $0x1BFF;
	s21 =	sshll.u32 s6, $0x1;
	s3 =	sadd.s32 s4, s19  }
0x9c: {  	s7 =	simm.s32 $0x0;
	s20 =	sshll.u32 s5, $0x1;
	s5 =	sadd.s32 s21, s3  }
0x9d: {  	[timem:s7], [sflag:s22] =	dma.local [hbm:s5], s20  }
0x9e: {  	_ =	swait.ge [sflag:s22], s20  }
0x9f: {  	s4 =	ssub.s32 $0x0, s20;
	[sflag:s22] =	ssyncset.done $0x0  }
0xa0: {  	[sflag:s22] =	ssyncadd.s32 s4;
	_ =	sdelay $0x1  }
0xa1: {  	s23 =	simm.s32 $0x1B8B  }
0xa2: {  	_ =	swait.ge [sflag:s23], $0x1  }
0xa3: {  	[sflag:s23] =	ssyncset.done $0x0  }
0xa4: {  	s25 =	simm.s32 $0x1B8E;
	s24 =	sld [smem:$0x3FFE];
	[sflag:s23] =	ssyncadd.s32 $0xFFFFFFFF  }
0xa5: {  	s26 =	simm.s32 $execute0_lowered;
	[smem:$0x3FD2] =	sst s25  }
0xa6: {  	s5 =	sshll.u32 s26, $0x1;
	_ =	strace $0x80000046;
	[dreg:$0x1] =	wrdreg $0xFFFFFFFF  }
0xa7: {  	s28 =	simm.s32 $_size_execute0_lowered;
	s3 =	sadd.s32 s3, s5;
	[dreg:$0x0] =	wrdreg $0x0  }
0xa8: {  	s5 =	sshll.u32 s28, $0x1;
	[dreg:$0x2] =	wrdreg s3  }
0xa9: {  	[dreg:$0x3] =	wrdreg s5  }
0xaa: {  	[dreg:$0x4] =	wrdreg $0xC0  }
0xab: {  	_ =	task [dreg:s7], $0x5FFFF  }
0xac: {  	[dreg:$0x1] =	wrdreg $0xFFFFFFFF  }
0xad: {  	[dreg:$0x0] =	wrdreg $0x60  }
0xae: {  	[dreg:$0x2] =	wrdreg s24  }
0xaf: {  	[dreg:$0x3] =	wrdreg s2  }
0xb0: {  	[dreg:$0x4] =	wrdreg $0x9  }
0xb1: {  	_ =	task.clear_ibuf [dreg:s7], $0x5FFFF;
	_ =	strace $0x90000046  }
0xb2: {  	s29 =	simm.s32 $0x9;
	_ =	strace $0x80000048  }
0xb3: {  	_ =	swait.ge [sflag:s29], $0x1  }
0xb4: {  	[sflag:s29] =	ssyncadd.s32 $0xFFFFFFFF  }
0xb5: {  	_ =	strace $0x90000048  }
0xb6: {  	_ =	sfence  }
0xb7: {  	s30 =	sld [smem:$0x0];
	_ =	sdelay $0x2  }
0xb8: {  	s31 =	sshll.u32 s1, $0xD;
	s1 =	sshrl.u32 s1, $0x2  }
0xb9: {  	s3 =	sand.u32 $0x4000, s31;
	s1 =	sadd.s32 s1, s30  }
0xba: {  	s0 =	sor.u32 s3, s0;
	s1 =	sshll.u32 s1, $0x11  }
0xbb: {  	s0 =	sor.u32 s1, s0  }
0xbc: {  	s0 =	sadd.s32 $0x8F2B, s0  }
0xbd: {  	[sflag:s0] =	ssyncadd.remote.s32 $0x1  }
0xbe: {  	_ =	sfence.sel $0xFFFF  }
0xbf: {  	[dreg:$0x0] =	wrdreg $0xFFFFFFFF;
	(pc) =	sbr.abs _section_cstart, $3  }
0xc0: {  	[dreg:$0x1] =	wrdreg $0xFFFFFFFF  }
0xc1: {  	_ =	task.clear_ibuf [dreg:s7], $0x2FFFF;
	_ =	strace $0x9FFFFFFF  }
0xc2: {  	(tm) =	ssettm $0x7FFFFFFF  }
0xc3: {  	_ =	shalt  }
tec
execute0_lowered:
.L_overlay_start_1:
0x0: {  	(tag) =	ssettag $0x1  }
0x1: {  	s1 =	srdreg.scid  }
0x2: {  	s0 =	stileid.u32;
	s8 =	sand.u32 $0x1, s1  }
0x3: {  	s1 =	sor.u32 s8, s0  }
0x4: {  	p1 =	seq.s32 s8, $0x1;
	p0 =	seq.s32 s1, $0x0  }
0x5: {  	p0 =	por !p0, !p1  }
0x6: {  	s1 =	simm.s32 $0x1;
	p0 =	por !p0, !p0  }
0x7: {  	s1 =	simm.s32 @!p0 $0x0  }
0x8: {  	s5 =	rddreg [dreg:$0x0];
	s9 =	ssub.s32 s0, s1  }
0x9: {  	s10 =	rddreg [dreg:$0x1];
	s30 =	sshll.u32 s8, $0x10;
	s2 =	sshll.u32 s9, $0xC  }
0xa: {  	s6 =	simm.s32 $0x1;
	s7 =	ssub.s32 $0x2, s8;
	s3 =	sadd.s32 s30, s2  }
0xb: {  	s1 =	rddreg [dreg:$0x2];
	s2 =	simm.s32 $0x0;
	s3 =	sshrl.u32 s3, $0x3  }
0xc: {  	s8 =	sshll.u32 s8, $0xC;
	[smem:$0x7FF] =	sst s2;
	s3 =	sadd.s32 s3, s5  }
0xd: {  	_ =	strace $0x80000047;
	s4 =	sadd.s32 $0x3C00, s3;
	s3 =	simm.s32 $0x2  }
0xe: {  	[tilespmem:s2], [sflag:$0x2] =	stream.linear.gather [hbm4b:s4+s2], $0x1000, $0x38;
	[tilespmem:$0x9000] =	vst v63  }
0xf: {  	s11 =	sshrl.u32 s7, $0x1;
	s8 =	sadd.s32 s10, s8;
	_ =	swait.ge [sflag:s3], $0x1000  }
0x10: {  	s11 =	ssub.s32 s7, s11;
	s7 =	simm.s32 $0x1000;
	[sflag:s3] =	ssyncset.done $0x0  }
0x11: {  	s31 =	smax.u32 s11, $0x1;
	s5 =	sadd.s32 $0x1C00, s5;
	[sflag:s3] =	ssyncadd.s32 $0xFFFFF000  }
0x12: {  	[tilespmem:s7], [sflag:$0x1] =	stream.indirect.gather [hbm4b:s5+s7], $0x8, s2, s7, $0xb8;
	[tilespmem:$0x9000] =	vst v63  }
0x13: {  	p0 =	sne.s32 s31, $0x1;
	s9 =	sshll.u32 s9, $0xD;
	_ =	swait.ge [sflag:s6], $0x8000  }
.Ltmp0:
0x14: {  	s9 =	sand.u32 $0x1FFFE000, s9;
	[sflag:s6] =	ssyncset.done $0x0;
	(pc) =	sbr.rel @!p0 .LBB2_2-.Ltmp0, $4  }
0x15: {  	s8 =	sadd.s32 s9, s8;
	[sflag:s6] =	ssyncadd.s32 $0xFFFF8000  }
0x16: {  	[hbm4b:s8+s2] =	stream.linear.scatter [tilespmem:s7], [sflag:$0x2], $0x8000, $0x38;
	[tilespmem:$0x9000] =	vst v63  }
0x17: {  	_ =	swait.ge [sflag:s3], $0x8000  }
0x18: {  	s9 =	sadd.s32 $0xFFFFFFFF, s31;
	[sflag:s3] =	ssyncset.done $0x0  }
.LBB2_1:
0x19: {  	p0 =	sne.s32 s9, $0x1;
	s9 =	sadd.s32 $0xFFFFFFFF, s9;
	[sflag:s3] =	ssyncadd.s32 $0xFFFF8000  }
0x1a: {  	[tilespmem:s2], [sflag:$0x2] =	stream.linear.gather [hbm4b:s4+s2], $0x1000, $0x38;
	[tilespmem:$0x9000] =	vst v63  }
0x1b: {  	_ =	swait.ge [sflag:s3], $0x1000  }
0x1c: {  	[sflag:s3] =	ssyncset.done $0x0  }
0x1d: {  	[sflag:s3] =	ssyncadd.s32 $0xFFFFF000  }
0x1e: {  	[tilespmem:s7], [sflag:$0x1] =	stream.indirect.gather [hbm4b:s5+s7], $0x8, s2, s7, $0xb8;
	[tilespmem:$0x9000] =	vst v63  }
0x1f: {  	_ =	swait.ge [sflag:s6], $0x8000  }
.Ltmp1:
0x20: {  	[sflag:s6] =	ssyncset.done $0x0;
	(pc) =	sbr.rel @p0 .LBB2_1-.Ltmp1, $4  }
0x21: {  	[sflag:s6] =	ssyncadd.s32 $0xFFFF8000  }
0x22: {  	[hbm4b:s8+s2] =	stream.linear.scatter [tilespmem:s7], [sflag:$0x2], $0x8000, $0x38;
	[tilespmem:$0x9000] =	vst v63  }
0x23: {  	_ =	swait.ge [sflag:s3], $0x8000  }
0x24: {  	[sflag:s3] =	ssyncset.done $0x0  }
.LBB2_2:
0x25: {  	[sflag:s3] =	ssyncadd.s32 $0xFFFF8000  }
0x26: {  	_ =	sfence.sel $0x180000  }
0x27: {  	[bflag:$0x0] =	sbarrier.arrive $0xFFFF  }
0x28: {  	p0 =	sne.s32 s0, $0x0;
	_ =	strace $0x90000047  }
0x29: {  	s0 =	sadd.s32 @!p0 $0x100000, s1;
	[bflag:$0x2] =	sbarrier.arrive $0xFFFF  }
0x2a: {  	[sflag:s0] =	ssyncadd.tile.s32 @!p0 $0x1;
	_ =	shalt  }
.Lfunc_end2:
_tile_overlayer_lowered:
.L_overlay_start_2:
0x2b: {  	(tag) =	ssettag $0x2  }
0x2c: {  	s0 =	rddreg [dreg:$0x0];
	s2 =	stileid.u32  }
0x2d: {  	s1 =	rddreg [dreg:$0x1];
	p0 =	sne.s32 s2, $0x0  }
0x2e: {  	s3 =	rddreg [dreg:$0x2];
	[bflag:$0x3] =	sbarrier.arrive $0xFFFF;
	s2 =	simm.s32 @!p0 $0x1C02  }
0x2f: {  	[timem:s3], [sflag:s2] =	dma.local @!p0 [hbm:s0], s1  }
0x30: {  	s0 =	simm.s32 @!p0 $0x2  }
0x31: {  	_ =	swait.ge @!p0 [sflag:s0], s1  }
0x32: {  	s1 =	ssub.s32 @!p0 $0x0, s1;
	[sflag:s0] =	ssyncset.done @!p0 $0x0  }
0x33: {  	[sflag:s0] =	ssyncadd.s32 @!p0 s1  }
0x34: {  	[bflag:$0x3] =	sbarrier.arrive $0xFFFF  }
0x35: {  	_ =	shalt  }

</sc_bundles>
